<compile_context>
chip_gen: v7x
topology: tpu7x:2x2x1
jax: 0.10.2.dev20260603
libtpu: 0.0.44.dev20260713+nightly
codegen_flags: <defaults>
</compile_context>

<pallas_src>
import functools

import jax
import jax.numpy as jnp
import numpy as np
from jax import lax
from jax.experimental import pallas as pl
from jax.experimental.pallas import tpu as pltpu
from jax.experimental.pallas import tpu_sc as plsc

NC = 2
NS = 16
LANES = 16
CA = 128


def _matmul_body(x_ref, w_ref, o_ref, *, scale):
    o_ref[...] = scale * jnp.dot(
        x_ref[...], w_ref[0], preferred_element_type=jnp.float32
    )


def _segsum_body(dst_ref, m0_ref, m1_ref, o_ref, *, bm, ec):
    nb = pl.program_id(0)
    t = pl.program_id(1)

    @pl.when(t == 0)
    def _init():
        o_ref[...] = jnp.zeros_like(o_ref)

    dst_vec = dst_ref[0, 0, :]
    mask = (jax.lax.broadcasted_iota(jnp.int32, (bm, ec), 0) + nb * bm
            == dst_vec[None, :]).astype(jnp.bfloat16)
    msg = jnp.concatenate([m0_ref[...], m1_ref[...]], axis=-1).astype(jnp.bfloat16)
    o_ref[...] += jnp.dot(mask, msg, preferred_element_type=jnp.float32)


def _make_sc_gather(n_nodes, e_pad, sh_mul, kc):
    per_s = e_pad // NS
    chunks_per_s = per_s // CA
    kblocks = kc // LANES
    row_w = sh_mul * kc

    def body(u_hbm, src_hbm, attr_hbm, msg_hbm,
             srcidx_v, gidx_v, attr_v, rows_v, msg_v, sem):
        cid = lax.axis_index("c")
        sid = lax.axis_index("s")
        base = sid * per_s
        rowoff = cid * n_nodes
        moff = cid * e_pad

        def chunk_body(t, carry):
            off = base + t * CA
            pltpu.sync_copy(src_hbm.at[pl.ds(off, CA)], srcidx_v)
            pltpu.sync_copy(
                attr_hbm.at[pl.ds(off * sh_mul, CA * sh_mul)], attr_v)

            def bump(j, c2):
                s0 = j * LANES
                gidx_v[pl.ds(s0, LANES)] = srcidx_v[pl.ds(s0, LANES)] + rowoff
                return c2
            lax.fori_loop(0, CA // LANES, bump, 0)
            pltpu.async_copy(u_hbm.at[gidx_v], rows_v, sem).wait()

            def group_body(g, inner):
                av = attr_v[pl.ds(g * 4 * sh_mul, LANES)]
                for q in range(4):
                    c = g * 4 + q
                    a0 = av[q * sh_mul + 0]
                    a1 = av[q * sh_mul + 1]
                    a2 = av[q * sh_mul + 2]
                    a3 = av[q * sh_mul + 3]
                    for k8 in range(kblocks):
                        s0 = k8 * LANES
                        v = (a0 * rows_v[c, pl.ds(s0, LANES)]
                             + a1 * rows_v[c, pl.ds(kc + s0, LANES)]
                             + a2 * rows_v[c, pl.ds(2 * kc + s0, LANES)]
                             + a3 * rows_v[c, pl.ds(3 * kc + s0, LANES)])
                        msg_v[c, pl.ds(s0, LANES)] = v
                return inner
            lax.fori_loop(0, CA // 4, group_body, 0)

            pltpu.sync_copy(msg_v, msg_hbm.at[pl.ds(moff + off, CA)])
            return carry
        lax.fori_loop(0, chunks_per_s, chunk_body, 0)

    mesh = plsc.VectorSubcoreMesh(
        core_axis_name="c", subcore_axis_name="s",
        num_cores=NC, num_subcores=NS)
    return pl.kernel(
        body,
        out_type=jax.ShapeDtypeStruct((NC * e_pad, kc), jnp.float32),
        mesh=mesh,
        scratch_types=[
            pltpu.VMEM((CA,), jnp.int32),
            pltpu.VMEM((CA,), jnp.int32),
            pltpu.VMEM((CA * sh_mul,), jnp.float32),
            pltpu.VMEM((CA, row_w), jnp.float32),
            pltpu.VMEM((CA, kc), jnp.float32),
            pltpu.SemaphoreType.DMA,
        ],
    )


@jax.jit
def kernel(x, edge_index, edge_attr, W):
    n_nodes, in_mul = x.shape
    n_edges = edge_index.shape[1]
    sh_mul = edge_attr.shape[1]
    out_mul = W.shape[2]
    kc = out_mul // NC
    scale = 1.0 / np.sqrt(in_mul * sh_mul) / np.sqrt(16.0)

    w_flat = W.reshape(in_mul, sh_mul * out_mul)
    cols = (jnp.arange(sh_mul)[:, None] * out_mul
            + jnp.arange(kc)[None, :])
    w3 = jnp.stack([w_flat[:, (cols + c * kc).reshape(-1)] for c in range(NC)])
    bm = 1000 if n_nodes % 1000 == 0 else n_nodes
    nb = n_nodes // bm
    u_all = pl.pallas_call(
        functools.partial(_matmul_body, scale=scale),
        grid=(NC, nb),
        in_specs=[
            pl.BlockSpec((bm, in_mul), lambda c, i: (i, 0)),
            pl.BlockSpec((1, in_mul, sh_mul * kc), lambda c, i: (c, 0, 0)),
        ],
        out_specs=pl.BlockSpec((bm, sh_mul * kc), lambda c, i: (c * nb + i, 0)),
        out_shape=jax.ShapeDtypeStruct(
            (NC * n_nodes, sh_mul * kc), jnp.float32),
    )(x, w3)

    per_s = -(-n_edges // (NS * CA)) * CA
    e_pad = per_s * NS
    n_extra = e_pad - n_edges
    src = edge_index[0]
    dst = edge_index[1]
    if n_extra:
        fill = (jnp.arange(n_extra, dtype=jnp.int32) * 37) % n_nodes
        src = jnp.concatenate([src, fill])
        dst = jnp.concatenate([dst, fill])
        edge_attr = jnp.concatenate(
            [edge_attr, jnp.zeros((n_extra, sh_mul), jnp.float32)])

    msgs = _make_sc_gather(n_nodes, e_pad, sh_mul, kc)(
        u_all, src, edge_attr.reshape(-1))

    ec = 512
    assert e_pad % ec == 0
    n_ec = e_pad // ec
    dst3 = dst.reshape(n_ec, 1, ec)
    out = pl.pallas_call(
        functools.partial(_segsum_body, bm=n_nodes, ec=ec),
        grid=(1, n_ec),
        in_specs=[
            pl.BlockSpec((1, 1, ec), lambda i, t: (t, 0, 0)),
            pl.BlockSpec((ec, kc), lambda i, t: (t, 0)),
            pl.BlockSpec((ec, kc), lambda i, t: (n_ec + t, 0)),
        ],
        out_specs=pl.BlockSpec((n_nodes, out_mul), lambda i, t: (0, 0)),
        out_shape=jax.ShapeDtypeStruct((n_nodes, out_mul), jnp.float32),
    )(dst3, msgs, msgs)
    return out

# --- scband reference (transcript-rebuilt; emitter-appended) ---
"""Pipeline reference for scband-e3-nn-basic-conv-lengthless-54692113547898 (READ-ONLY COPY).

The authoritative reference and input builder live on the scoring server;
editing this copy changes nothing except your own understanding.
"""

import jax, jax.numpy as jnp
import numpy as np

N_NODES = 10000
N_EDGES = 160000
IN_MUL = 128
SH_MUL = 4
OUT_MUL = 128
NUM_NEIGHBORS = 16.0
# e3nn FullyConnectedTensorProduct path normalization for the single
# instruction (0e x 0e -> 0e, 'uvw' connection): alpha = 1/sqrt(fan_in),
# fan_in = mul_in1 * mul_in2 = 128 * 4 = 512. Weights are i.i.d. standard normal.
ALPHA = 1.0 / np.sqrt(IN_MUL * SH_MUL)


def setup_inputs(seed: int = 0):
    key = jax.random.key(seed)
    k1, k2, k3, k4 = jax.random.split(key, 4)
    x = jax.random.normal(k1, (N_NODES, IN_MUL), dtype=jnp.float32)
    edge_index = jax.random.randint(k2, (2, N_EDGES), 0, N_NODES, dtype=jnp.int32)
    edge_attr = jax.random.normal(k3, (N_EDGES, SH_MUL), dtype=jnp.float32)
    W = jax.random.normal(k4, (IN_MUL, SH_MUL, OUT_MUL), dtype=jnp.float32)
    return {"x": x, "edge_index": edge_index, "edge_attr": edge_attr, "W": W}


def reference(x, edge_index, edge_attr, W):
    # i: source node of each edge (features gathered), j: destination (scatter target)
    i = edge_index[0]
    j = edge_index[1]
    num_nodes = x.shape[0]
    # gather source node features per edge
    x_i = jnp.take(x, i, axis=0)  # [E, IN_MUL]
    # FullyConnectedTensorProduct for scalar irreps = normalized bilinear form:
    # summand[e, k] = alpha * sum_{a,b} W[a, b, k] * x_i[e, a] * edge_attr[e, b]
    z = jnp.einsum('ea,abk->ebk', x_i, W)          # [E, SH_MUL, OUT_MUL]
    summand = ALPHA * jnp.einsum('eb,ebk->ek', edge_attr, z)  # [E, OUT_MUL]
    # scatter-add messages to destination nodes
    out = jax.ops.segment_sum(summand, j, num_segments=num_nodes)  # [N, OUT_MUL]
    return out / jnp.sqrt(NUM_NEIGHBORS)

if __name__ == "__main__":
    import jax
    _d = setup_inputs()
    print(jax.jit(kernel)(*tuple(_d.values())))

</pallas_src>

<mosaic_0001>
#map = affine_map<(d0, d1) -> (0, 0)>
#map1 = affine_map<(d0, d1) -> (0)>
module attributes {stable_mosaic.version = 14 : i64} {
  func.func @body(%arg0: i32, %arg1: i32, %arg2: memref<20000x256xf32, #tpu.memory_space<hbm>>, %arg3: memref<161792xi32, #tpu.memory_space<hbm>>, %arg4: memref<647168xf32, #tpu.memory_space<hbm>>, %arg5: memref<323584x64xf32, #tpu.memory_space<hbm>>, %arg6: memref<128xi32, #tpu.memory_space<vmem>>, %arg7: memref<128xi32, #tpu.memory_space<vmem>>, %arg8: memref<512xf32, #tpu.memory_space<vmem>>, %arg9: memref<128x256xf32, #tpu.memory_space<vmem>>, %arg10: memref<128x64xf32, #tpu.memory_space<vmem>>, %arg11: memref<!tpu.dma_semaphore, #tpu.memory_space<semaphore_mem>>) attributes {dimension_semantics = [#tpu.dimension_semantics<core_parallel>, #tpu.dimension_semantics<subcore_parallel>], iteration_bounds = array<i64: 2, 16>, scalar_prefetch = 0 : i64, scratch_operands = 6 : i64, tpu.core_type = #tpu.core_type<sc_vector_subcore>, window_params = [{transform_indices = #map}, {transform_indices = #map1}, {transform_indices = #map1}, {transform_indices = #map}]} {
    %mul3A = arith.constant 10112 : i32
    %mul3A_0 = arith.muli %arg1, %mul3A : i32
    %mul3A_1 = arith.constant 10000 : i32
    %mul3A_2 = arith.muli %arg0, %mul3A_1 : i32
    %mul3A_3 = arith.constant 161792 : i32
    %mul3A_4 = arith.muli %arg0, %mul3A_3 : i32
    %scan3A = arith.constant 0 : i32
    %scan3A_5 = arith.constant 0 : i32
    %scan3A_6 = arith.constant 79 : i32
    %scan3A_7 = arith.addi %scan3A_5, %scan3A_6 : i32
    %scan3A_8 = arith.constant 1 : i32
    scf.for %scan3A_10 = %scan3A_5 to %scan3A_7 step %scan3A_8  : i32 {
      %mul3A_11 = arith.constant 128 : i32
      %mul3A_12 = arith.muli %scan3A_10, %mul3A_11 : i32
      %add3A = arith.addi %mul3A_0, %mul3A_12 : i32
      "tpu.region"() ({
        %run_scoped3A = tpu.sem_alloc : memref<!tpu.dma_semaphore, #tpu.memory_space<semaphore_mem>>
        %dma_start3A_32 = tpu.memref_slice %arg3[%add3A] : memref<161792xi32, #tpu.memory_space<hbm>> -> memref<128xi32, #tpu.memory_space<hbm>>
        %dma_start3A_33 = tpu.memref_slice %arg3[%add3A] : memref<161792xi32, #tpu.memory_space<hbm>> -> memref<128xi32, #tpu.memory_space<hbm>>
        tpu.enqueue_dma source(%dma_start3A_33 : memref<128xi32, #tpu.memory_space<hbm>>) target(%arg6 : memref<128xi32, #tpu.memory_space<vmem>>) target_semaphore(%run_scoped3A : memref<!tpu.dma_semaphore, #tpu.memory_space<semaphore_mem>>)
        %dma_wait3A_34 = tpu.memref_slice %arg3[%add3A] : memref<161792xi32, #tpu.memory_space<hbm>> -> memref<128xi32, #tpu.memory_space<hbm>>
        %dma_wait3A_35 = tpu.memref_slice %arg3[%add3A] : memref<161792xi32, #tpu.memory_space<hbm>> -> memref<128xi32, #tpu.memory_space<hbm>>
        tpu.wait_dma2 semaphore(%run_scoped3A : memref<!tpu.dma_semaphore, #tpu.memory_space<semaphore_mem>>) src(%dma_wait3A_35 : memref<128xi32, #tpu.memory_space<hbm>>) dst(%arg6 : memref<128xi32, #tpu.memory_space<vmem>>)
        tpu.yield
      }) : () -> ()
      %mul3A_13 = arith.constant 4 : i32
      %mul3A_14 = arith.muli %add3A, %mul3A_13 : i32
      "tpu.region"() ({
        %run_scoped3A = tpu.sem_alloc : memref<!tpu.dma_semaphore, #tpu.memory_space<semaphore_mem>>
        %dma_start3A_32 = tpu.memref_slice %arg4[%mul3A_14] : memref<647168xf32, #tpu.memory_space<hbm>> -> memref<512xf32, #tpu.memory_space<hbm>>
        %dma_start3A_33 = tpu.memref_slice %arg4[%mul3A_14] : memref<647168xf32, #tpu.memory_space<hbm>> -> memref<512xf32, #tpu.memory_space<hbm>>
        tpu.enqueue_dma source(%dma_start3A_33 : memref<512xf32, #tpu.memory_space<hbm>>) target(%arg8 : memref<512xf32, #tpu.memory_space<vmem>>) target_semaphore(%run_scoped3A : memref<!tpu.dma_semaphore, #tpu.memory_space<semaphore_mem>>)
        %dma_wait3A_34 = tpu.memref_slice %arg4[%mul3A_14] : memref<647168xf32, #tpu.memory_space<hbm>> -> memref<512xf32, #tpu.memory_space<hbm>>
        %dma_wait3A_35 = tpu.memref_slice %arg4[%mul3A_14] : memref<647168xf32, #tpu.memory_space<hbm>> -> memref<512xf32, #tpu.memory_space<hbm>>
        tpu.wait_dma2 semaphore(%run_scoped3A : memref<!tpu.dma_semaphore, #tpu.memory_space<semaphore_mem>>) src(%dma_wait3A_35 : memref<512xf32, #tpu.memory_space<hbm>>) dst(%arg8 : memref<512xf32, #tpu.memory_space<vmem>>)
        tpu.yield
      }) : () -> ()
      %scan3A_15 = arith.constant 0 : i32
      %scan3A_16 = arith.constant 0 : i32
      %scan3A_17 = arith.constant 8 : i32
      %scan3A_18 = arith.addi %scan3A_16, %scan3A_17 : i32
      %scan3A_19 = arith.constant 1 : i32
      scf.for %scan3A_32 = %scan3A_16 to %scan3A_18 step %scan3A_19  : i32 {
        %mul3A_33 = arith.constant 16 : i32
        %mul3A_34 = arith.muli %scan3A_32, %mul3A_33 : i32
        %get3A = arith.index_cast %mul3A_34 : i32 to index
        %get3A_35 = tpu.vector_load %arg6[%get3A] {strides = array<i32>} : memref<128xi32, #tpu.memory_space<vmem>>, vector<16xi32>,
        %get3A_36 = vector.shape_cast %get3A_35 : vector<16xi32> to vector<16xi32>
        %add3A_37 = vector.broadcast %mul3A_2 : i32 to vector<16xi32>
        %add3A_38 = arith.addi %get3A_36, %add3A_37 : vector<16xi32>
        %swap3A = arith.index_cast %mul3A_34 : i32 to index
        %swap3A_39 = tpu.vector_load %arg7[%swap3A] {strides = array<i32>} : memref<128xi32, #tpu.memory_space<vmem>>, vector<16xi32>,
        %swap3A_40 = vector.shape_cast %swap3A_39 : vector<16xi32> to vector<16xi32>
        %swap3A_41 = vector.shape_cast %add3A_38 : vector<16xi32> to vector<16xi32>
        tpu.vector_store %arg7[%swap3A], %swap3A_41 {strides = array<i32>} : memref<128xi32, #tpu.memory_space<vmem>>, vector<16xi32>,
      }
      %scan3A_20 = arith.constant 8 : i32
      %dma_start3A = arith.constant 0 : i32
      %dma_start3A_21 = arith.constant 0 : i32
      %dma_start3A_22 = tpu.memref_slice %arg2[%dma_start3A, %dma_start3A_21] : memref<20000x256xf32, #tpu.memory_space<hbm>> -> memref<20000x256xf32, #tpu.memory_space<hbm>>
      tpu.enqueue_indirect_dma source(%dma_start3A_22 : memref<20000x256xf32, #tpu.memory_space<hbm>>) target(%arg9 : memref<128x256xf32, #tpu.memory_space<vmem>>) offsets(%arg7 : memref<128xi32, #tpu.memory_space<vmem>>) semaphore(%arg11 : memref<!tpu.dma_semaphore, #tpu.memory_space<semaphore_mem>>)
      %dma_wait3A = arith.constant 0 : i32
      %dma_wait3A_23 = arith.constant 0 : i32
      %dma_wait3A_24 = tpu.memref_slice %arg2[%dma_wait3A, %dma_wait3A_23] : memref<20000x256xf32, #tpu.memory_space<hbm>> -> memref<20000x256xf32, #tpu.memory_space<hbm>>
      tpu.wait_indirect_dma semaphore(%arg11 : memref<!tpu.dma_semaphore, #tpu.memory_space<semaphore_mem>>) src(%dma_wait3A_24 : memref<20000x256xf32, #tpu.memory_space<hbm>>) dst(%arg9 : memref<128x256xf32, #tpu.memory_space<vmem>>)
      %scan3A_25 = arith.constant 0 : i32
      %scan3A_26 = arith.constant 0 : i32
      %scan3A_27 = arith.constant 32 : i32
      %scan3A_28 = arith.addi %scan3A_26, %scan3A_27 : i32
      %scan3A_29 = arith.constant 1 : i32
      scf.for %scan3A_32 = %scan3A_26 to %scan3A_28 step %scan3A_29  : i32 {
        %mul3A_33 = arith.constant 4 : i32
        %mul3A_34 = arith.muli %scan3A_32, %mul3A_33 : i32
        %mul3A_35 = arith.constant 4 : i32
        %mul3A_36 = arith.muli %mul3A_34, %mul3A_35 : i32
        %get3A = arith.index_cast %mul3A_36 : i32 to index
        %get3A_37 = tpu.vector_load %arg8[%get3A] {strides = array<i32>} : memref<512xf32, #tpu.memory_space<vmem>>, vector<16xf32>,
        %get3A_38 = vector.shape_cast %get3A_37 : vector<16xf32> to vector<16xf32>
        %mul3A_39 = arith.constant 4 : i32
        %mul3A_40 = arith.muli %scan3A_32, %mul3A_39 : i32
        %add3A_41 = arith.constant 0 : i32
        %add3A_42 = arith.addi %mul3A_40, %add3A_41 : i32
        %slice3A = vector.extract_strided_slice %get3A_38 {offsets = [0], sizes = [1], strides = [1]} : vector<16xf32> to vector<1xf32>
        %squeeze3A = vector.extract %slice3A[0] : f32 from vector<1xf32>
        %slice3A_43 = vector.extract_strided_slice %get3A_38 {offsets = [1], sizes = [1], strides = [1]} : vector<16xf32> to vector<1xf32>
        %squeeze3A_44 = vector.extract %slice3A_43[0] : f32 from vector<1xf32>
        %slice3A_45 = vector.extract_strided_slice %get3A_38 {offsets = [2], sizes = [1], strides = [1]} : vector<16xf32> to vector<1xf32>
        %squeeze3A_46 = vector.extract %slice3A_45[0] : f32 from vector<1xf32>
        %slice3A_47 = vector.extract_strided_slice %get3A_38 {offsets = [3], sizes = [1], strides = [1]} : vector<16xf32> to vector<1xf32>
        %squeeze3A_48 = vector.extract %slice3A_47[0] : f32 from vector<1xf32>
        %get3A_49 = arith.index_cast %add3A_42 : i32 to index
        %get3A_50 = arith.constant 0 : index
        %get3A_51 = tpu.vector_load %arg9[%get3A_49, %get3A_50] {strides = array<i32>} : memref<128x256xf32, #tpu.memory_space<vmem>>, vector<1x16xf32>,
        %get3A_52 = vector.shape_cast %get3A_51 : vector<1x16xf32> to vector<16xf32>
        %mul3A_53 = vector.broadcast %squeeze3A : f32 to vector<16xf32>
        %mul3A_54 = arith.mulf %mul3A_53, %get3A_52 : vector<16xf32>
        %get3A_55 = arith.index_cast %add3A_42 : i32 to index
        %get3A_56 = arith.constant 64 : index
        %get3A_57 = tpu.vector_load %arg9[%get3A_55, %get3A_56] {strides = array<i32>} : memref<128x256xf32, #tpu.memory_space<vmem>>, vector<1x16xf32>,
        %get3A_58 = vector.shape_cast %get3A_57 : vector<1x16xf32> to vector<16xf32>
        %mul3A_59 = vector.broadcast %squeeze3A_44 : f32 to vector<16xf32>
        %mul3A_60 = arith.mulf %mul3A_59, %get3A_58 : vector<16xf32>
        %add3A_61 = arith.addf %mul3A_54, %mul3A_60 : vector<16xf32>
        %get3A_62 = arith.index_cast %add3A_42 : i32 to index
        %get3A_63 = arith.constant 128 : index
        %get3A_64 = tpu.vector_load %arg9[%get3A_62, %get3A_63] {strides = array<i32>} : memref<128x256xf32, #tpu.memory_space<vmem>>, vector<1x16xf32>,
        %get3A_65 = vector.shape_cast %get3A_64 : vector<1x16xf32> to vector<16xf32>
        %mul3A_66 = vector.broadcast %squeeze3A_46 : f32 to vector<16xf32>
        %mul3A_67 = arith.mulf %mul3A_66, %get3A_65 : vector<16xf32>
        %add3A_68 = arith.addf %add3A_61, %mul3A_67 : vector<16xf32>
        %get3A_69 = arith.index_cast %add3A_42 : i32 to index
        %get3A_70 = arith.constant 192 : index
        %get3A_71 = tpu.vector_load %arg9[%get3A_69, %get3A_70] {strides = array<i32>} : memref<128x256xf32, #tpu.memory_space<vmem>>, vector<1x16xf32>,
        %get3A_72 = vector.shape_cast %get3A_71 : vector<1x16xf32> to vector<16xf32>
        %mul3A_73 = vector.broadcast %squeeze3A_48 : f32 to vector<16xf32>
        %mul3A_74 = arith.mulf %mul3A_73, %get3A_72 : vector<16xf32>
        %add3A_75 = arith.addf %add3A_68, %mul3A_74 : vector<16xf32>
        %swap3A = arith.index_cast %add3A_42 : i32 to index
        %swap3A_76 = arith.constant 0 : index
        %swap3A_77 = tpu.vector_load %arg10[%swap3A, %swap3A_76] {strides = array<i32>} : memref<128x64xf32, #tpu.memory_space<vmem>>, vector<1x16xf32>,
        %swap3A_78 = vector.shape_cast %swap3A_77 : vector<1x16xf32> to vector<16xf32>
        %swap3A_79 = vector.shape_cast %add3A_75 : vector<16xf32> to vector<1x16xf32>
        tpu.vector_store %arg10[%swap3A, %swap3A_76], %swap3A_79 {strides = array<i32>} : memref<128x64xf32, #tpu.memory_space<vmem>>, vector<1x16xf32>,
        %get3A_80 = arith.index_cast %add3A_42 : i32 to index
        %get3A_81 = arith.constant 16 : index
        %get3A_82 = tpu.vector_load %arg9[%get3A_80, %get3A_81] {strides = array<i32>} : memref<128x256xf32, #tpu.memory_space<vmem>>, vector<1x16xf32>,
        %get3A_83 = vector.shape_cast %get3A_82 : vector<1x16xf32> to vector<16xf32>
        %mul3A_84 = vector.broadcast %squeeze3A : f32 to vector<16xf32>
        %mul3A_85 = arith.mulf %mul3A_84, %get3A_83 : vector<16xf32>
        %get3A_86 = arith.index_cast %add3A_42 : i32 to index
        %get3A_87 = arith.constant 80 : index
        %get3A_88 = tpu.vector_load %arg9[%get3A_86, %get3A_87] {strides = array<i32>} : memref<128x256xf32, #tpu.memory_space<vmem>>, vector<1x16xf32>,
        %get3A_89 = vector.shape_cast %get3A_88 : vector<1x16xf32> to vector<16xf32>
        %mul3A_90 = vector.broadcast %squeeze3A_44 : f32 to vector<16xf32>
        %mul3A_91 = arith.mulf %mul3A_90, %get3A_89 : vector<16xf32>
        %add3A_92 = arith.addf %mul3A_85, %mul3A_91 : vector<16xf32>
        %get3A_93 = arith.index_cast %add3A_42 : i32 to index
        %get3A_94 = arith.constant 144 : index
        %get3A_95 = tpu.vector_load %arg9[%get3A_93, %get3A_94] {strides = array<i32>} : memref<128x256xf32, #tpu.memory_space<vmem>>, vector<1x16xf32>,
        %get3A_96 = vector.shape_cast %get3A_95 : vector<1x16xf32> to vector<16xf32>
        %mul3A_97 = vector.broadcast %squeeze3A_46 : f32 to vector<16xf32>
        %mul3A_98 = arith.mulf %mul3A_97, %get3A_96 : vector<16xf32>
        %add3A_99 = arith.addf %add3A_92, %mul3A_98 : vector<16xf32>
        %get3A_100 = arith.index_cast %add3A_42 : i32 to index
        %get3A_101 = arith.constant 208 : index
        %get3A_102 = tpu.vector_load %arg9[%get3A_100, %get3A_101] {strides = array<i32>} : memref<128x256xf32, #tpu.memory_space<vmem>>, vector<1x16xf32>,
        %get3A_103 = vector.shape_cast %get3A_102 : vector<1x16xf32> to vector<16xf32>
        %mul3A_104 = vector.broadcast %squeeze3A_48 : f32 to vector<16xf32>
        %mul3A_105 = arith.mulf %mul3A_104, %get3A_103 : vector<16xf32>
        %add3A_106 = arith.addf %add3A_99, %mul3A_105 : vector<16xf32>
        %swap3A_107 = arith.index_cast %add3A_42 : i32 to index
        %swap3A_108 = arith.constant 16 : index
        %swap3A_109 = tpu.vector_load %arg10[%swap3A_107, %swap3A_108] {strides = array<i32>} : memref<128x64xf32, #tpu.memory_space<vmem>>, vector<1x16xf32>,
        %swap3A_110 = vector.shape_cast %swap3A_109 : vector<1x16xf32> to vector<16xf32>
        %swap3A_111 = vector.shape_cast %add3A_106 : vector<16xf32> to vector<1x16xf32>
        tpu.vector_store %arg10[%swap3A_107, %swap3A_108], %swap3A_111 {strides = array<i32>} : memref<128x64xf32, #tpu.memory_space<vmem>>, vector<1x16xf32>,
        %get3A_112 = arith.index_cast %add3A_42 : i32 to index
        %get3A_113 = arith.constant 32 : index
        %get3A_114 = tpu.vector_load %arg9[%get3A_112, %get3A_113] {strides = array<i32>} : memref<128x256xf32, #tpu.memory_space<vmem>>, vector<1x16xf32>,
        %get3A_115 = vector.shape_cast %get3A_114 : vector<1x16xf32> to vector<16xf32>
        %mul3A_116 = vector.broadcast %squeeze3A : f32 to vector<16xf32>
        %mul3A_117 = arith.mulf %mul3A_116, %get3A_115 : vector<16xf32>
        %get3A_118 = arith.index_cast %add3A_42 : i32 to index
        %get3A_119 = arith.constant 96 : index
        %get3A_120 = tpu.vector_load %arg9[%get3A_118, %get3A_119] {strides = array<i32>} : memref<128x256xf32, #tpu.memory_space<vmem>>, vector<1x16xf32>,
        %get3A_121 = vector.shape_cast %get3A_120 : vector<1x16xf32> to vector<16xf32>
        %mul3A_122 = vector.broadcast %squeeze3A_44 : f32 to vector<16xf32>
        %mul3A_123 = arith.mulf %mul3A_122, %get3A_121 : vector<16xf32>
        %add3A_124 = arith.addf %mul3A_117, %mul3A_123 : vector<16xf32>
        %get3A_125 = arith.index_cast %add3A_42 : i32 to index
        %get3A_126 = arith.constant 160 : index
        %get3A_127 = tpu.vector_load %arg9[%get3A_125, %get3A_126] {strides = array<i32>} : memref<128x256xf32, #tpu.memory_space<vmem>>, vector<1x16xf32>,
        %get3A_128 = vector.shape_cast %get3A_127 : vector<1x16xf32> to vector<16xf32>
        %mul3A_129 = vector.broadcast %squeeze3A_46 : f32 to vector<16xf32>
        %mul3A_130 = arith.mulf %mul3A_129, %get3A_128 : vector<16xf32>
        %add3A_131 = arith.addf %add3A_124, %mul3A_130 : vector<16xf32>
        %get3A_132 = arith.index_cast %add3A_42 : i32 to index
        %get3A_133 = arith.constant 224 : index
        %get3A_134 = tpu.vector_load %arg9[%get3A_132, %get3A_133] {strides = array<i32>} : memref<128x256xf32, #tpu.memory_space<vmem>>, vector<1x16xf32>,
        %get3A_135 = vector.shape_cast %get3A_134 : vector<1x16xf32> to vector<16xf32>
        %mul3A_136 = vector.broadcast %squeeze3A_48 : f32 to vector<16xf32>
        %mul3A_137 = arith.mulf %mul3A_136, %get3A_135 : vector<16xf32>
        %add3A_138 = arith.addf %add3A_131, %mul3A_137 : vector<16xf32>
        %swap3A_139 = arith.index_cast %add3A_42 : i32 to index
        %swap3A_140 = arith.constant 32 : index
        %swap3A_141 = tpu.vector_load %arg10[%swap3A_139, %swap3A_140] {strides = array<i32>} : memref<128x64xf32, #tpu.memory_space<vmem>>, vector<1x16xf32>,
        %swap3A_142 = vector.shape_cast %swap3A_141 : vector<1x16xf32> to vector<16xf32>
        %swap3A_143 = vector.shape_cast %add3A_138 : vector<16xf32> to vector<1x16xf32>
        tpu.vector_store %arg10[%swap3A_139, %swap3A_140], %swap3A_143 {strides = array<i32>} : memref<128x64xf32, #tpu.memory_space<vmem>>, vector<1x16xf32>,
        %get3A_144 = arith.index_cast %add3A_42 : i32 to index
        %get3A_145 = arith.constant 48 : index
        %get3A_146 = tpu.vector_load %arg9[%get3A_144, %get3A_145] {strides = array<i32>} : memref<128x256xf32, #tpu.memory_space<vmem>>, vector<1x16xf32>,
        %get3A_147 = vector.shape_cast %get3A_146 : vector<1x16xf32> to vector<16xf32>
        %mul3A_148 = vector.broadcast %squeeze3A : f32 to vector<16xf32>
        %mul3A_149 = arith.mulf %mul3A_148, %get3A_147 : vector<16xf32>
        %get3A_150 = arith.index_cast %add3A_42 : i32 to index
        %get3A_151 = arith.constant 112 : index
        %get3A_152 = tpu.vector_load %arg9[%get3A_150, %get3A_151] {strides = array<i32>} : memref<128x256xf32, #tpu.memory_space<vmem>>, vector<1x16xf32>,
        %get3A_153 = vector.shape_cast %get3A_152 : vector<1x16xf32> to vector<16xf32>
        %mul3A_154 = vector.broadcast %squeeze3A_44 : f32 to vector<16xf32>
        %mul3A_155 = arith.mulf %mul3A_154, %get3A_153 : vector<16xf32>
        %add3A_156 = arith.addf %mul3A_149, %mul3A_155 : vector<16xf32>
        %get3A_157 = arith.index_cast %add3A_42 : i32 to index
        %get3A_158 = arith.constant 176 : index
        %get3A_159 = tpu.vector_load %arg9[%get3A_157, %get3A_158] {strides = array<i32>} : memref<128x256xf32, #tpu.memory_space<vmem>>, vector<1x16xf32>,
        %get3A_160 = vector.shape_cast %get3A_159 : vector<1x16xf32> to vector<16xf32>
        %mul3A_161 = vector.broadcast %squeeze3A_46 : f32 to vector<16xf32>
        %mul3A_162 = arith.mulf %mul3A_161, %get3A_160 : vector<16xf32>
        %add3A_163 = arith.addf %add3A_156, %mul3A_162 : vector<16xf32>
        %get3A_164 = arith.index_cast %add3A_42 : i32 to index
        %get3A_165 = arith.constant 240 : index
        %get3A_166 = tpu.vector_load %arg9[%get3A_164, %get3A_165] {strides = array<i32>} : memref<128x256xf32, #tpu.memory_space<vmem>>, vector<1x16xf32>,
        %get3A_167 = vector.shape_cast %get3A_166 : vector<1x16xf32> to vector<16xf32>
        %mul3A_168 = vector.broadcast %squeeze3A_48 : f32 to vector<16xf32>
        %mul3A_169 = arith.mulf %mul3A_168, %get3A_167 : vector<16xf32>
        %add3A_170 = arith.addf %add3A_163, %mul3A_169 : vector<16xf32>
        %swap3A_171 = arith.index_cast %add3A_42 : i32 to index
        %swap3A_172 = arith.constant 48 : index
        %swap3A_173 = tpu.vector_load %arg10[%swap3A_171, %swap3A_172] {strides = array<i32>} : memref<128x64xf32, #tpu.memory_space<vmem>>, vector<1x16xf32>,
        %swap3A_174 = vector.shape_cast %swap3A_173 : vector<1x16xf32> to vector<16xf32>
        %swap3A_175 = vector.shape_cast %add3A_170 : vector<16xf32> to vector<1x16xf32>
        tpu.vector_store %arg10[%swap3A_171, %swap3A_172], %swap3A_175 {strides = array<i32>} : memref<128x64xf32, #tpu.memory_space<vmem>>, vector<1x16xf32>,
        %mul3A_176 = arith.constant 4 : i32
        %mul3A_177 = arith.muli %scan3A_32, %mul3A_176 : i32
        %add3A_178 = arith.constant 1 : i32
        %add3A_179 = arith.addi %mul3A_177, %add3A_178 : i32
        %slice3A_180 = vector.extract_strided_slice %get3A_38 {offsets = [4], sizes = [1], strides = [1]} : vector<16xf32> to vector<1xf32>
        %squeeze3A_181 = vector.extract %slice3A_180[0] : f32 from vector<1xf32>
        %slice3A_182 = vector.extract_strided_slice %get3A_38 {offsets = [5], sizes = [1], strides = [1]} : vector<16xf32> to vector<1xf32>
        %squeeze3A_183 = vector.extract %slice3A_182[0] : f32 from vector<1xf32>
        %slice3A_184 = vector.extract_strided_slice %get3A_38 {offsets = [6], sizes = [1], strides = [1]} : vector<16xf32> to vector<1xf32>
        %squeeze3A_185 = vector.extract %slice3A_184[0] : f32 from vector<1xf32>
        %slice3A_186 = vector.extract_strided_slice %get3A_38 {offsets = [7], sizes = [1], strides = [1]} : vector<16xf32> to vector<1xf32>
        %squeeze3A_187 = vector.extract %slice3A_186[0] : f32 from vector<1xf32>
        %get3A_188 = arith.index_cast %add3A_179 : i32 to index
        %get3A_189 = arith.constant 0 : index
        %get3A_190 = tpu.vector_load %arg9[%get3A_188, %get3A_189] {strides = array<i32>} : memref<128x256xf32, #tpu.memory_space<vmem>>, vector<1x16xf32>,
        %get3A_191 = vector.shape_cast %get3A_190 : vector<1x16xf32> to vector<16xf32>
        %mul3A_192 = vector.broadcast %squeeze3A_181 : f32 to vector<16xf32>
        %mul3A_193 = arith.mulf %mul3A_192, %get3A_191 : vector<16xf32>
        %get3A_194 = arith.index_cast %add3A_179 : i32 to index
        %get3A_195 = arith.constant 64 : index
        %get3A_196 = tpu.vector_load %arg9[%get3A_194, %get3A_195] {strides = array<i32>} : memref<128x256xf32, #tpu.memory_space<vmem>>, vector<1x16xf32>,
        %get3A_197 = vector.shape_cast %get3A_196 : vector<1x16xf32> to vector<16xf32>
        %mul3A_198 = vector.broadcast %squeeze3A_183 : f32 to vector<16xf32>
        %mul3A_199 = arith.mulf %mul3A_198, %get3A_197 : vector<16xf32>
        %add3A_200 = arith.addf %mul3A_193, %mul3A_199 : vector<16xf32>
        %get3A_201 = arith.index_cast %add3A_179 : i32 to index
        %get3A_202 = arith.constant 128 : index
        %get3A_203 = tpu.vector_load %arg9[%get3A_201, %get3A_202] {strides = array<i32>} : memref<128x256xf32, #tpu.memory_space<vmem>>, vector<1x16xf32>,
        %get3A_204 = vector.shape_cast %get3A_203 : vector<1x16xf32> to vector<16xf32>
        %mul3A_205 = vector.broadcast %squeeze3A_185 : f32 to vector<16xf32>
        %mul3A_206 = arith.mulf %mul3A_205, %get3A_204 : vector<16xf32>
        %add3A_207 = arith.addf %add3A_200, %mul3A_206 : vector<16xf32>
        %get3A_208 = arith.index_cast %add3A_179 : i32 to index
        %get3A_209 = arith.constant 192 : index
        %get3A_210 = tpu.vector_load %arg9[%get3A_208, %get3A_209] {strides = array<i32>} : memref<128x256xf32, #tpu.memory_space<vmem>>, vector<1x16xf32>,
        %get3A_211 = vector.shape_cast %get3A_210 : vector<1x16xf32> to vector<16xf32>
        %mul3A_212 = vector.broadcast %squeeze3A_187 : f32 to vector<16xf32>
        %mul3A_213 = arith.mulf %mul3A_212, %get3A_211 : vector<16xf32>
        %add3A_214 = arith.addf %add3A_207, %mul3A_213 : vector<16xf32>
        %swap3A_215 = arith.index_cast %add3A_179 : i32 to index
        %swap3A_216 = arith.constant 0 : index
        %swap3A_217 = tpu.vector_load %arg10[%swap3A_215, %swap3A_216] {strides = array<i32>} : memref<128x64xf32, #tpu.memory_space<vmem>>, vector<1x16xf32>,
        %swap3A_218 = vector.shape_cast %swap3A_217 : vector<1x16xf32> to vector<16xf32>
        %swap3A_219 = vector.shape_cast %add3A_214 : vector<16xf32> to vector<1x16xf32>
        tpu.vector_store %arg10[%swap3A_215, %swap3A_216], %swap3A_219 {strides = array<i32>} : memref<128x64xf32, #tpu.memory_space<vmem>>, vector<1x16xf32>,
        %get3A_220 = arith.index_cast %add3A_179 : i32 to index
        %get3A_221 = arith.constant 16 : index
        %get3A_222 = tpu.vector_load %arg9[%get3A_220, %get3A_221] {strides = array<i32>} : memref<128x256xf32, #tpu.memory_space<vmem>>, vector<1x16xf32>,
        %get3A_223 = vector.shape_cast %get3A_222 : vector<1x16xf32> to vector<16xf32>
        %mul3A_224 = vector.broadcast %squeeze3A_181 : f32 to vector<16xf32>
        %mul3A_225 = arith.mulf %mul3A_224, %get3A_223 : vector<16xf32>
        %get3A_226 = arith.index_cast %add3A_179 : i32 to index
        %get3A_227 = arith.constant 80 : index
        %get3A_228 = tpu.vector_load %arg9[%get3A_226, %get3A_227] {strides = array<i32>} : memref<128x256xf32, #tpu.memory_space<vmem>>, vector<1x16xf32>,
        %get3A_229 = vector.shape_cast %get3A_228 : vector<1x16xf32> to vector<16xf32>
        %mul3A_230 = vector.broadcast %squeeze3A_183 : f32 to vector<16xf32>
        %mul3A_231 = arith.mulf %mul3A_230, %get3A_229 : vector<16xf32>
        %add3A_232 = arith.addf %mul3A_225, %mul3A_231 : vector<16xf32>
        %get3A_233 = arith.index_cast %add3A_179 : i32 to index
        %get3A_234 = arith.constant 144 : index
        %get3A_235 = tpu.vector_load %arg9[%get3A_233, %get3A_234] {strides = array<i32>} : memref<128x256xf32, #tpu.memory_space<vmem>>, vector<1x16xf32>,
        %get3A_236 = vector.shape_cast %get3A_235 : vector<1x16xf32> to vector<16xf32>
        %mul3A_237 = vector.broadcast %squeeze3A_185 : f32 to vector<16xf32>
        %mul3A_238 = arith.mulf %mul3A_237, %get3A_236 : vector<16xf32>
        %add3A_239 = arith.addf %add3A_232, %mul3A_238 : vector<16xf32>
        %get3A_240 = arith.index_cast %add3A_179 : i32 to index
        %get3A_241 = arith.constant 208 : index
        %get3A_242 = tpu.vector_load %arg9[%get3A_240, %get3A_241] {strides = array<i32>} : memref<128x256xf32, #tpu.memory_space<vmem>>, vector<1x16xf32>,
        %get3A_243 = vector.shape_cast %get3A_242 : vector<1x16xf32> to vector<16xf32>
        %mul3A_244 = vector.broadcast %squeeze3A_187 : f32 to vector<16xf32>
        %mul3A_245 = arith.mulf %mul3A_244, %get3A_243 : vector<16xf32>
        %add3A_246 = arith.addf %add3A_239, %mul3A_245 : vector<16xf32>
        %swap3A_247 = arith.index_cast %add3A_179 : i32 to index
        %swap3A_248 = arith.constant 16 : index
        %swap3A_249 = tpu.vector_load %arg10[%swap3A_247, %swap3A_248] {strides = array<i32>} : memref<128x64xf32, #tpu.memory_space<vmem>>, vector<1x16xf32>,
        %swap3A_250 = vector.shape_cast %swap3A_249 : vector<1x16xf32> to vector<16xf32>
        %swap3A_251 = vector.shape_cast %add3A_246 : vector<16xf32> to vector<1x16xf32>
        tpu.vector_store %arg10[%swap3A_247, %swap3A_248], %swap3A_251 {strides = array<i32>} : memref<128x64xf32, #tpu.memory_space<vmem>>, vector<1x16xf32>,
        %get3A_252 = arith.index_cast %add3A_179 : i32 to index
        %get3A_253 = arith.constant 32 : index
        %get3A_254 = tpu.vector_load %arg9[%get3A_252, %get3A_253] {strides = array<i32>} : memref<128x256xf32, #tpu.memory_space<vmem>>, vector<1x16xf32>,
        %get3A_255 = vector.shape_cast %get3A_254 : vector<1x16xf32> to vector<16xf32>
        %mul3A_256 = vector.broadcast %squeeze3A_181 : f32 to vector<16xf32>
        %mul3A_257 = arith.mulf %mul3A_256, %get3A_255 : vector<16xf32>
        %get3A_258 = arith.index_cast %add3A_179 : i32 to index
        %get3A_259 = arith.constant 96 : index
        %get3A_260 = tpu.vector_load %arg9[%get3A_258, %get3A_259] {strides = array<i32>} : memref<128x256xf32, #tpu.memory_space<vmem>>, vector<1x16xf32>,
        %get3A_261 = vector.shape_cast %get3A_260 : vector<1x16xf32> to vector<16xf32>
        %mul3A_262 = vector.broadcast %squeeze3A_183 : f32 to vector<16xf32>
        %mul3A_263 = arith.mulf %mul3A_262, %get3A_261 : vector<16xf32>
        %add3A_264 = arith.addf %mul3A_257, %mul3A_263 : vector<16xf32>
        %get3A_265 = arith.index_cast %add3A_179 : i32 to index
        %get3A_266 = arith.constant 160 : index
        %get3A_267 = tpu.vector_load %arg9[%get3A_265, %get3A_266] {strides = array<i32>} : memref<128x256xf32, #tpu.memory_space<vmem>>, vector<1x16xf32>,
        %get3A_268 = vector.shape_cast %get3A_267 : vector<1x16xf32> to vector<16xf32>
        %mul3A_269 = vector.broadcast %squeeze3A_185 : f32 to vector<16xf32>
        %mul3A_270 = arith.mulf %mul3A_269, %get3A_268 : vector<16xf32>
        %add3A_271 = arith.addf %add3A_264, %mul3A_270 : vector<16xf32>
        %get3A_272 = arith.index_cast %add3A_179 : i32 to index
        %get3A_273 = arith.constant 224 : index
        %get3A_274 = tpu.vector_load %arg9[%get3A_272, %get3A_273] {strides = array<i32>} : memref<128x256xf32, #tpu.memory_space<vmem>>, vector<1x16xf32>,
        %get3A_275 = vector.shape_cast %get3A_274 : vector<1x16xf32> to vector<16xf32>
        %mul3A_276 = vector.broadcast %squeeze3A_187 : f32 to vector<16xf32>
        %mul3A_277 = arith.mulf %mul3A_276, %get3A_275 : vector<16xf32>
        %add3A_278 = arith.addf %add3A_271, %mul3A_277 : vector<16xf32>
        %swap3A_279 = arith.index_cast %add3A_179 : i32 to index
        %swap3A_280 = arith.constant 32 : index
        %swap3A_281 = tpu.vector_load %arg10[%swap3A_279, %swap3A_280] {strides = array<i32>} : memref<128x64xf32, #tpu.memory_space<vmem>>, vector<1x16xf32>,
        %swap3A_282 = vector.shape_cast %swap3A_281 : vector<1x16xf32> to vector<16xf32>
        %swap3A_283 = vector.shape_cast %add3A_278 : vector<16xf32> to vector<1x16xf32>
        tpu.vector_store %arg10[%swap3A_279, %swap3A_280], %swap3A_283 {strides = array<i32>} : memref<128x64xf32, #tpu.memory_space<vmem>>, vector<1x16xf32>,
        %get3A_284 = arith.index_cast %add3A_179 : i32 to index
        %get3A_285 = arith.constant 48 : index
        %get3A_286 = tpu.vector_load %arg9[%get3A_284, %get3A_285] {strides = array<i32>} : memref<128x256xf32, #tpu.memory_space<vmem>>, vector<1x16xf32>,
        %get3A_287 = vector.shape_cast %get3A_286 : vector<1x16xf32> to vector<16xf32>
        %mul3A_288 = vector.broadcast %squeeze3A_181 : f32 to vector<16xf32>
        %mul3A_289 = arith.mulf %mul3A_288, %get3A_287 : vector<16xf32>
        %get3A_290 = arith.index_cast %add3A_179 : i32 to index
        %get3A_291 = arith.constant 112 : index
        %get3A_292 = tpu.vector_load %arg9[%get3A_290, %get3A_291] {strides = array<i32>} : memref<128x256xf32, #tpu.memory_space<vmem>>, vector<1x16xf32>,
        %get3A_293 = vector.shape_cast %get3A_292 : vector<1x16xf32> to vector<16xf32>
        %mul3A_294 = vector.broadcast %squeeze3A_183 : f32 to vector<16xf32>
        %mul3A_295 = arith.mulf %mul3A_294, %get3A_293 : vector<16xf32>
        %add3A_296 = arith.addf %mul3A_289, %mul3A_295 : vector<16xf32>
        %get3A_297 = arith.index_cast %add3A_179 : i32 to index
        %get3A_298 = arith.constant 176 : index
        %get3A_299 = tpu.vector_load %arg9[%get3A_297, %get3A_298] {strides = array<i32>} : memref<128x256xf32, #tpu.memory_space<vmem>>, vector<1x16xf32>,
        %get3A_300 = vector.shape_cast %get3A_299 : vector<1x16xf32> to vector<16xf32>
        %mul3A_301 = vector.broadcast %squeeze3A_185 : f32 to vector<16xf32>
        %mul3A_302 = arith.mulf %mul3A_301, %get3A_300 : vector<16xf32>
        %add3A_303 = arith.addf %add3A_296, %mul3A_302 : vector<16xf32>
        %get3A_304 = arith.index_cast %add3A_179 : i32 to index
        %get3A_305 = arith.constant 240 : index
        %get3A_306 = tpu.vector_load %arg9[%get3A_304, %get3A_305] {strides = array<i32>} : memref<128x256xf32, #tpu.memory_space<vmem>>, vector<1x16xf32>,
        %get3A_307 = vector.shape_cast %get3A_306 : vector<1x16xf32> to vector<16xf32>
        %mul3A_308 = vector.broadcast %squeeze3A_187 : f32 to vector<16xf32>
        %mul3A_309 = arith.mulf %mul3A_308, %get3A_307 : vector<16xf32>
        %add3A_310 = arith.addf %add3A_303, %mul3A_309 : vector<16xf32>
        %swap3A_311 = arith.index_cast %add3A_179 : i32 to index
        %swap3A_312 = arith.constant 48 : index
        %swap3A_313 = tpu.vector_load %arg10[%swap3A_311, %swap3A_312] {strides = array<i32>} : memref<128x64xf32, #tpu.memory_space<vmem>>, vector<1x16xf32>,
        %swap3A_314 = vector.shape_cast %swap3A_313 : vector<1x16xf32> to vector<16xf32>
        %swap3A_315 = vector.shape_cast %add3A_310 : vector<16xf32> to vector<1x16xf32>
        tpu.vector_store %arg10[%swap3A_311, %swap3A_312], %swap3A_315 {strides = array<i32>} : memref<128x64xf32, #tpu.memory_space<vmem>>, vector<1x16xf32>,
        %mul3A_316 = arith.constant 4 : i32
        %mul3A_317 = arith.muli %scan3A_32, %mul3A_316 : i32
        %add3A_318 = arith.constant 2 : i32
        %add3A_319 = arith.addi %mul3A_317, %add3A_318 : i32
        %slice3A_320 = vector.extract_strided_slice %get3A_38 {offsets = [8], sizes = [1], strides = [1]} : vector<16xf32> to vector<1xf32>
        %squeeze3A_321 = vector.extract %slice3A_320[0] : f32 from vector<1xf32>
        %slice3A_322 = vector.extract_strided_slice %get3A_38 {offsets = [9], sizes = [1], strides = [1]} : vector<16xf32> to vector<1xf32>
        %squeeze3A_323 = vector.extract %slice3A_322[0] : f32 from vector<1xf32>
        %slice3A_324 = vector.extract_strided_slice %get3A_38 {offsets = [10], sizes = [1], strides = [1]} : vector<16xf32> to vector<1xf32>
        %squeeze3A_325 = vector.extract %slice3A_324[0] : f32 from vector<1xf32>
        %slice3A_326 = vector.extract_strided_slice %get3A_38 {offsets = [11], sizes = [1], strides = [1]} : vector<16xf32> to vector<1xf32>
        %squeeze3A_327 = vector.extract %slice3A_326[0] : f32 from vector<1xf32>
        %get3A_328 = arith.index_cast %add3A_319 : i32 to index
        %get3A_329 = arith.constant 0 : index
        %get3A_330 = tpu.vector_load %arg9[%get3A_328, %get3A_329] {strides = array<i32>} : memref<128x256xf32, #tpu.memory_space<vmem>>, vector<1x16xf32>,
        %get3A_331 = vector.shape_cast %get3A_330 : vector<1x16xf32> to vector<16xf32>
        %mul3A_332 = vector.broadcast %squeeze3A_321 : f32 to vector<16xf32>
        %mul3A_333 = arith.mulf %mul3A_332, %get3A_331 : vector<16xf32>
        %get3A_334 = arith.index_cast %add3A_319 : i32 to index
        %get3A_335 = arith.constant 64 : index
        %get3A_336 = tpu.vector_load %arg9[%get3A_334, %get3A_335] {strides = array<i32>} : memref<128x256xf32, #tpu.memory_space<vmem>>, vector<1x16xf32>,
        %get3A_337 = vector.shape_cast %get3A_336 : vector<1x16xf32> to vector<16xf32>
        %mul3A_338 = vector.broadcast %squeeze3A_323 : f32 to vector<16xf32>
        %mul3A_339 = arith.mulf %mul3A_338, %get3A_337 : vector<16xf32>
        %add3A_340 = arith.addf %mul3A_333, %mul3A_339 : vector<16xf32>
        %get3A_341 = arith.index_cast %add3A_319 : i32 to index
        %get3A_342 = arith.constant 128 : index
        %get3A_343 = tpu.vector_load %arg9[%get3A_341, %get3A_342] {strides = array<i32>} : memref<128x256xf32, #tpu.memory_space<vmem>>, vector<1x16xf32>,
        %get3A_344 = vector.shape_cast %get3A_343 : vector<1x16xf32> to vector<16xf32>
        %mul3A_345 = vector.broadcast %squeeze3A_325 : f32 to vector<16xf32>
        %mul3A_346 = arith.mulf %mul3A_345, %get3A_344 : vector<16xf32>
        %add3A_347 = arith.addf %add3A_340, %mul3A_346 : vector<16xf32>
        %get3A_348 = arith.index_cast %add3A_319 : i32 to index
        %get3A_349 = arith.constant 192 : index
        %get3A_350 = tpu.vector_load %arg9[%get3A_348, %get3A_349] {strides = array<i32>} : memref<128x256xf32, #tpu.memory_space<vmem>>, vector<1x16xf32>,
        %get3A_351 = vector.shape_cast %get3A_350 : vector<1x16xf32> to vector<16xf32>
        %mul3A_352 = vector.broadcast %squeeze3A_327 : f32 to vector<16xf32>
        %mul3A_353 = arith.mulf %mul3A_352, %get3A_351 : vector<16xf32>
        %add3A_354 = arith.addf %add3A_347, %mul3A_353 : vector<16xf32>
        %swap3A_355 = arith.index_cast %add3A_319 : i32 to index
        %swap3A_356 = arith.constant 0 : index
        %swap3A_357 = tpu.vector_load %arg10[%swap3A_355, %swap3A_356] {strides = array<i32>} : memref<128x64xf32, #tpu.memory_space<vmem>>, vector<1x16xf32>,
        %swap3A_358 = vector.shape_cast %swap3A_357 : vector<1x16xf32> to vector<16xf32>
        %swap3A_359 = vector.shape_cast %add3A_354 : vector<16xf32> to vector<1x16xf32>
        tpu.vector_store %arg10[%swap3A_355, %swap3A_356], %swap3A_359 {strides = array<i32>} : memref<128x64xf32, #tpu.memory_space<vmem>>, vector<1x16xf32>,
        %get3A_360 = arith.index_cast %add3A_319 : i32 to index
        %get3A_361 = arith.constant 16 : index
        %get3A_362 = tpu.vector_load %arg9[%get3A_360, %get3A_361] {strides = array<i32>} : memref<128x256xf32, #tpu.memory_space<vmem>>, vector<1x16xf32>,
        %get3A_363 = vector.shape_cast %get3A_362 : vector<1x16xf32> to vector<16xf32>
        %mul3A_364 = vector.broadcast %squeeze3A_321 : f32 to vector<16xf32>
        %mul3A_365 = arith.mulf %mul3A_364, %get3A_363 : vector<16xf32>
        %get3A_366 = arith.index_cast %add3A_319 : i32 to index
        %get3A_367 = arith.constant 80 : index
        %get3A_368 = tpu.vector_load %arg9[%get3A_366, %get3A_367] {strides = array<i32>} : memref<128x256xf32, #tpu.memory_space<vmem>>, vector<1x16xf32>,
        %get3A_369 = vector.shape_cast %get3A_368 : vector<1x16xf32> to vector<16xf32>
        %mul3A_370 = vector.broadcast %squeeze3A_323 : f32 to vector<16xf32>
        %mul3A_371 = arith.mulf %mul3A_370, %get3A_369 : vector<16xf32>
        %add3A_372 = arith.addf %mul3A_365, %mul3A_371 : vector<16xf32>
        %get3A_373 = arith.index_cast %add3A_319 : i32 to index
        %get3A_374 = arith.constant 144 : index
        %get3A_375 = tpu.vector_load %arg9[%get3A_373, %get3A_374] {strides = array<i32>} : memref<128x256xf32, #tpu.memory_space<vmem>>, vector<1x16xf32>,
        %get3A_376 = vector.shape_cast %get3A_375 : vector<1x16xf32> to vector<16xf32>
        %mul3A_377 = vector.broadcast %squeeze3A_325 : f32 to vector<16xf32>
        %mul3A_378 = arith.mulf %mul3A_377, %get3A_376 : vector<16xf32>
        %add3A_379 = arith.addf %add3A_372, %mul3A_378 : vector<16xf32>
        %get3A_380 = arith.index_cast %add3A_319 : i32 to index
        %get3A_381 = arith.constant 208 : index
        %get3A_382 = tpu.vector_load %arg9[%get3A_380, %get3A_381] {strides = array<i32>} : memref<128x256xf32, #tpu.memory_space<vmem>>, vector<1x16xf32>,
        %get3A_383 = vector.shape_cast %get3A_382 : vector<1x16xf32> to vector<16xf32>
        %mul3A_384 = vector.broadcast %squeeze3A_327 : f32 to vector<16xf32>
        %mul3A_385 = arith.mulf %mul3A_384, %get3A_383 : vector<16xf32>
        %add3A_386 = arith.addf %add3A_379, %mul3A_385 : vector<16xf32>
        %swap3A_387 = arith.index_cast %add3A_319 : i32 to index
        %swap3A_388 = arith.constant 16 : index
        %swap3A_389 = tpu.vector_load %arg10[%swap3A_387, %swap3A_388] {strides = array<i32>} : memref<128x64xf32, #tpu.memory_space<vmem>>, vector<1x16xf32>,
        %swap3A_390 = vector.shape_cast %swap3A_389 : vector<1x16xf32> to vector<16xf32>
        %swap3A_391 = vector.shape_cast %add3A_386 : vector<16xf32> to vector<1x16xf32>
        tpu.vector_store %arg10[%swap3A_387, %swap3A_388], %swap3A_391 {strides = array<i32>} : memref<128x64xf32, #tpu.memory_space<vmem>>, vector<1x16xf32>,
        %get3A_392 = arith.index_cast %add3A_319 : i32 to index
        %get3A_393 = arith.constant 32 : index
        %get3A_394 = tpu.vector_load %arg9[%get3A_392, %get3A_393] {strides = array<i32>} : memref<128x256xf32, #tpu.memory_space<vmem>>, vector<1x16xf32>,
        %get3A_395 = vector.shape_cast %get3A_394 : vector<1x16xf32> to vector<16xf32>
        %mul3A_396 = vector.broadcast %squeeze3A_321 : f32 to vector<16xf32>
        %mul3A_397 = arith.mulf %mul3A_396, %get3A_395 : vector<16xf32>
        %get3A_398 = arith.index_cast %add3A_319 : i32 to index
        %get3A_399 = arith.constant 96 : index
        %get3A_400 = tpu.vector_load %arg9[%get3A_398, %get3A_399] {strides = array<i32>} : memref<128x256xf32, #tpu.memory_space<vmem>>, vector<1x16xf32>,
        %get3A_401 = vector.shape_cast %get3A_400 : vector<1x16xf32> to vector<16xf32>
        %mul3A_402 = vector.broadcast %squeeze3A_323 : f32 to vector<16xf32>
        %mul3A_403 = arith.mulf %mul3A_402, %get3A_401 : vector<16xf32>
        %add3A_404 = arith.addf %mul3A_397, %mul3A_403 : vector<16xf32>
        %get3A_405 = arith.index_cast %add3A_319 : i32 to index
        %get3A_406 = arith.constant 160 : index
        %get3A_407 = tpu.vector_load %arg9[%get3A_405, %get3A_406] {strides = array<i32>} : memref<128x256xf32, #tpu.memory_space<vmem>>, vector<1x16xf32>,
        %get3A_408 = vector.shape_cast %get3A_407 : vector<1x16xf32> to vector<16xf32>
        %mul3A_409 = vector.broadcast %squeeze3A_325 : f32 to vector<16xf32>
        %mul3A_410 = arith.mulf %mul3A_409, %get3A_408 : vector<16xf32>
        %add3A_411 = arith.addf %add3A_404, %mul3A_410 : vector<16xf32>
        %get3A_412 = arith.index_cast %add3A_319 : i32 to index
        %get3A_413 = arith.constant 224 : index
        %get3A_414 = tpu.vector_load %arg9[%get3A_412, %get3A_413] {strides = array<i32>} : memref<128x256xf32, #tpu.memory_space<vmem>>, vector<1x16xf32>,
        %get3A_415 = vector.shape_cast %get3A_414 : vector<1x16xf32> to vector<16xf32>
        %mul3A_416 = vector.broadcast %squeeze3A_327 : f32 to vector<16xf32>
        %mul3A_417 = arith.mulf %mul3A_416, %get3A_415 : vector<16xf32>
        %add3A_418 = arith.addf %add3A_411, %mul3A_417 : vector<16xf32>
        %swap3A_419 = arith.index_cast %add3A_319 : i32 to index
        %swap3A_420 = arith.constant 32 : index
        %swap3A_421 = tpu.vector_load %arg10[%swap3A_419, %swap3A_420] {strides = array<i32>} : memref<128x64xf32, #tpu.memory_space<vmem>>, vector<1x16xf32>,
        %swap3A_422 = vector.shape_cast %swap3A_421 : vector<1x16xf32> to vector<16xf32>
        %swap3A_423 = vector.shape_cast %add3A_418 : vector<16xf32> to vector<1x16xf32>
        tpu.vector_store %arg10[%swap3A_419, %swap3A_420], %swap3A_423 {strides = array<i32>} : memref<128x64xf32, #tpu.memory_space<vmem>>, vector<1x16xf32>,
        %get3A_424 = arith.index_cast %add3A_319 : i32 to index
        %get3A_425 = arith.constant 48 : index
        %get3A_426 = tpu.vector_load %arg9[%get3A_424, %get3A_425] {strides = array<i32>} : memref<128x256xf32, #tpu.memory_space<vmem>>, vector<1x16xf32>,
        %get3A_427 = vector.shape_cast %get3A_426 : vector<1x16xf32> to vector<16xf32>
        %mul3A_428 = vector.broadcast %squeeze3A_321 : f32 to vector<16xf32>
        %mul3A_429 = arith.mulf %mul3A_428, %get3A_427 : vector<16xf32>
        %get3A_430 = arith.index_cast %add3A_319 : i32 to index
        %get3A_431 = arith.constant 112 : index
        %get3A_432 = tpu.vector_load %arg9[%get3A_430, %get3A_431] {strides = array<i32>} : memref<128x256xf32, #tpu.memory_space<vmem>>, vector<1x16xf32>,
        %get3A_433 = vector.shape_cast %get3A_432 : vector<1x16xf32> to vector<16xf32>
        %mul3A_434 = vector.broadcast %squeeze3A_323 : f32 to vector<16xf32>
        %mul3A_435 = arith.mulf %mul3A_434, %get3A_433 : vector<16xf32>
        %add3A_436 = arith.addf %mul3A_429, %mul3A_435 : vector<16xf32>
        %get3A_437 = arith.index_cast %add3A_319 : i32 to index
        %get3A_438 = arith.constant 176 : index
        %get3A_439 = tpu.vector_load %arg9[%get3A_437, %get3A_438] {strides = array<i32>} : memref<128x256xf32, #tpu.memory_space<vmem>>, vector<1x16xf32>,
        %get3A_440 = vector.shape_cast %get3A_439 : vector<1x16xf32> to vector<16xf32>
        %mul3A_441 = vector.broadcast %squeeze3A_325 : f32 to vector<16xf32>
        %mul3A_442 = arith.mulf %mul3A_441, %get3A_440 : vector<16xf32>
        %add3A_443 = arith.addf %add3A_436, %mul3A_442 : vector<16xf32>
        %get3A_444 = arith.index_cast %add3A_319 : i32 to index
        %get3A_445 = arith.constant 240 : index
        %get3A_446 = tpu.vector_load %arg9[%get3A_444, %get3A_445] {strides = array<i32>} : memref<128x256xf32, #tpu.memory_space<vmem>>, vector<1x16xf32>,
        %get3A_447 = vector.shape_cast %get3A_446 : vector<1x16xf32> to vector<16xf32>
        %mul3A_448 = vector.broadcast %squeeze3A_327 : f32 to vector<16xf32>
        %mul3A_449 = arith.mulf %mul3A_448, %get3A_447 : vector<16xf32>
        %add3A_450 = arith.addf %add3A_443, %mul3A_449 : vector<16xf32>
        %swap3A_451 = arith.index_cast %add3A_319 : i32 to index
        %swap3A_452 = arith.constant 48 : index
        %swap3A_453 = tpu.vector_load %arg10[%swap3A_451, %swap3A_452] {strides = array<i32>} : memref<128x64xf32, #tpu.memory_space<vmem>>, vector<1x16xf32>,
        %swap3A_454 = vector.shape_cast %swap3A_453 : vector<1x16xf32> to vector<16xf32>
        %swap3A_455 = vector.shape_cast %add3A_450 : vector<16xf32> to vector<1x16xf32>
        tpu.vector_store %arg10[%swap3A_451, %swap3A_452], %swap3A_455 {strides = array<i32>} : memref<128x64xf32, #tpu.memory_space<vmem>>, vector<1x16xf32>,
        %mul3A_456 = arith.constant 4 : i32
        %mul3A_457 = arith.muli %scan3A_32, %mul3A_456 : i32
        %add3A_458 = arith.constant 3 : i32
        %add3A_459 = arith.addi %mul3A_457, %add3A_458 : i32
        %slice3A_460 = vector.extract_strided_slice %get3A_38 {offsets = [12], sizes = [1], strides = [1]} : vector<16xf32> to vector<1xf32>
        %squeeze3A_461 = vector.extract %slice3A_460[0] : f32 from vector<1xf32>
        %slice3A_462 = vector.extract_strided_slice %get3A_38 {offsets = [13], sizes = [1], strides = [1]} : vector<16xf32> to vector<1xf32>
        %squeeze3A_463 = vector.extract %slice3A_462[0] : f32 from vector<1xf32>
        %slice3A_464 = vector.extract_strided_slice %get3A_38 {offsets = [14], sizes = [1], strides = [1]} : vector<16xf32> to vector<1xf32>
        %squeeze3A_465 = vector.extract %slice3A_464[0] : f32 from vector<1xf32>
        %slice3A_466 = vector.extract_strided_slice %get3A_38 {offsets = [15], sizes = [1], strides = [1]} : vector<16xf32> to vector<1xf32>
        %squeeze3A_467 = vector.extract %slice3A_466[0] : f32 from vector<1xf32>
        %get3A_468 = arith.index_cast %add3A_459 : i32 to index
        %get3A_469 = arith.constant 0 : index
        %get3A_470 = tpu.vector_load %arg9[%get3A_468, %get3A_469] {strides = array<i32>} : memref<128x256xf32, #tpu.memory_space<vmem>>, vector<1x16xf32>,
        %get3A_471 = vector.shape_cast %get3A_470 : vector<1x16xf32> to vector<16xf32>
        %mul3A_472 = vector.broadcast %squeeze3A_461 : f32 to vector<16xf32>
        %mul3A_473 = arith.mulf %mul3A_472, %get3A_471 : vector<16xf32>
        %get3A_474 = arith.index_cast %add3A_459 : i32 to index
        %get3A_475 = arith.constant 64 : index
        %get3A_476 = tpu.vector_load %arg9[%get3A_474, %get3A_475] {strides = array<i32>} : memref<128x256xf32, #tpu.memory_space<vmem>>, vector<1x16xf32>,
        %get3A_477 = vector.shape_cast %get3A_476 : vector<1x16xf32> to vector<16xf32>
        %mul3A_478 = vector.broadcast %squeeze3A_463 : f32 to vector<16xf32>
        %mul3A_479 = arith.mulf %mul3A_478, %get3A_477 : vector<16xf32>
        %add3A_480 = arith.addf %mul3A_473, %mul3A_479 : vector<16xf32>
        %get3A_481 = arith.index_cast %add3A_459 : i32 to index
        %get3A_482 = arith.constant 128 : index
        %get3A_483 = tpu.vector_load %arg9[%get3A_481, %get3A_482] {strides = array<i32>} : memref<128x256xf32, #tpu.memory_space<vmem>>, vector<1x16xf32>,
        %get3A_484 = vector.shape_cast %get3A_483 : vector<1x16xf32> to vector<16xf32>
        %mul3A_485 = vector.broadcast %squeeze3A_465 : f32 to vector<16xf32>
        %mul3A_486 = arith.mulf %mul3A_485, %get3A_484 : vector<16xf32>
        %add3A_487 = arith.addf %add3A_480, %mul3A_486 : vector<16xf32>
        %get3A_488 = arith.index_cast %add3A_459 : i32 to index
        %get3A_489 = arith.constant 192 : index
        %get3A_490 = tpu.vector_load %arg9[%get3A_488, %get3A_489] {strides = array<i32>} : memref<128x256xf32, #tpu.memory_space<vmem>>, vector<1x16xf32>,
        %get3A_491 = vector.shape_cast %get3A_490 : vector<1x16xf32> to vector<16xf32>
        %mul3A_492 = vector.broadcast %squeeze3A_467 : f32 to vector<16xf32>
        %mul3A_493 = arith.mulf %mul3A_492, %get3A_491 : vector<16xf32>
        %add3A_494 = arith.addf %add3A_487, %mul3A_493 : vector<16xf32>
        %swap3A_495 = arith.index_cast %add3A_459 : i32 to index
        %swap3A_496 = arith.constant 0 : index
        %swap3A_497 = tpu.vector_load %arg10[%swap3A_495, %swap3A_496] {strides = array<i32>} : memref<128x64xf32, #tpu.memory_space<vmem>>, vector<1x16xf32>,
        %swap3A_498 = vector.shape_cast %swap3A_497 : vector<1x16xf32> to vector<16xf32>
        %swap3A_499 = vector.shape_cast %add3A_494 : vector<16xf32> to vector<1x16xf32>
        tpu.vector_store %arg10[%swap3A_495, %swap3A_496], %swap3A_499 {strides = array<i32>} : memref<128x64xf32, #tpu.memory_space<vmem>>, vector<1x16xf32>,
        %get3A_500 = arith.index_cast %add3A_459 : i32 to index
        %get3A_501 = arith.constant 16 : index
        %get3A_502 = tpu.vector_load %arg9[%get3A_500, %get3A_501] {strides = array<i32>} : memref<128x256xf32, #tpu.memory_space<vmem>>, vector<1x16xf32>,
        %get3A_503 = vector.shape_cast %get3A_502 : vector<1x16xf32> to vector<16xf32>
        %mul3A_504 = vector.broadcast %squeeze3A_461 : f32 to vector<16xf32>
        %mul3A_505 = arith.mulf %mul3A_504, %get3A_503 : vector<16xf32>
        %get3A_506 = arith.index_cast %add3A_459 : i32 to index
        %get3A_507 = arith.constant 80 : index
        %get3A_508 = tpu.vector_load %arg9[%get3A_506, %get3A_507] {strides = array<i32>} : memref<128x256xf32, #tpu.memory_space<vmem>>, vector<1x16xf32>,
        %get3A_509 = vector.shape_cast %get3A_508 : vector<1x16xf32> to vector<16xf32>
        %mul3A_510 = vector.broadcast %squeeze3A_463 : f32 to vector<16xf32>
        %mul3A_511 = arith.mulf %mul3A_510, %get3A_509 : vector<16xf32>
        %add3A_512 = arith.addf %mul3A_505, %mul3A_511 : vector<16xf32>
        %get3A_513 = arith.index_cast %add3A_459 : i32 to index
        %get3A_514 = arith.constant 144 : index
        %get3A_515 = tpu.vector_load %arg9[%get3A_513, %get3A_514] {strides = array<i32>} : memref<128x256xf32, #tpu.memory_space<vmem>>, vector<1x16xf32>,
        %get3A_516 = vector.shape_cast %get3A_515 : vector<1x16xf32> to vector<16xf32>
        %mul3A_517 = vector.broadcast %squeeze3A_465 : f32 to vector<16xf32>
        %mul3A_518 = arith.mulf %mul3A_517, %get3A_516 : vector<16xf32>
        %add3A_519 = arith.addf %add3A_512, %mul3A_518 : vector<16xf32>
        %get3A_520 = arith.index_cast %add3A_459 : i32 to index
        %get3A_521 = arith.constant 208 : index
        %get3A_522 = tpu.vector_load %arg9[%get3A_520, %get3A_521] {strides = array<i32>} : memref<128x256xf32, #tpu.memory_space<vmem>>, vector<1x16xf32>,
        %get3A_523 = vector.shape_cast %get3A_522 : vector<1x16xf32> to vector<16xf32>
        %mul3A_524 = vector.broadcast %squeeze3A_467 : f32 to vector<16xf32>
        %mul3A_525 = arith.mulf %mul3A_524, %get3A_523 : vector<16xf32>
        %add3A_526 = arith.addf %add3A_519, %mul3A_525 : vector<16xf32>
        %swap3A_527 = arith.index_cast %add3A_459 : i32 to index
        %swap3A_528 = arith.constant 16 : index
        %swap3A_529 = tpu.vector_load %arg10[%swap3A_527, %swap3A_528] {strides = array<i32>} : memref<128x64xf32, #tpu.memory_space<vmem>>, vector<1x16xf32>,
        %swap3A_530 = vector.shape_cast %swap3A_529 : vector<1x16xf32> to vector<16xf32>
        %swap3A_531 = vector.shape_cast %add3A_526 : vector<16xf32> to vector<1x16xf32>
        tpu.vector_store %arg10[%swap3A_527, %swap3A_528], %swap3A_531 {strides = array<i32>} : memref<128x64xf32, #tpu.memory_space<vmem>>, vector<1x16xf32>,
        %get3A_532 = arith.index_cast %add3A_459 : i32 to index
        %get3A_533 = arith.constant 32 : index
        %get3A_534 = tpu.vector_load %arg9[%get3A_532, %get3A_533] {strides = array<i32>} : memref<128x256xf32, #tpu.memory_space<vmem>>, vector<1x16xf32>,
        %get3A_535 = vector.shape_cast %get3A_534 : vector<1x16xf32> to vector<16xf32>
        %mul3A_536 = vector.broadcast %squeeze3A_461 : f32 to vector<16xf32>
        %mul3A_537 = arith.mulf %mul3A_536, %get3A_535 : vector<16xf32>
        %get3A_538 = arith.index_cast %add3A_459 : i32 to index
        %get3A_539 = arith.constant 96 : index
        %get3A_540 = tpu.vector_load %arg9[%get3A_538, %get3A_539] {strides = array<i32>} : memref<128x256xf32, #tpu.memory_space<vmem>>, vector<1x16xf32>,
        %get3A_541 = vector.shape_cast %get3A_540 : vector<1x16xf32> to vector<16xf32>
        %mul3A_542 = vector.broadcast %squeeze3A_463 : f32 to vector<16xf32>
        %mul3A_543 = arith.mulf %mul3A_542, %get3A_541 : vector<16xf32>
        %add3A_544 = arith.addf %mul3A_537, %mul3A_543 : vector<16xf32>
        %get3A_545 = arith.index_cast %add3A_459 : i32 to index
        %get3A_546 = arith.constant 160 : index
        %get3A_547 = tpu.vector_load %arg9[%get3A_545, %get3A_546] {strides = array<i32>} : memref<128x256xf32, #tpu.memory_space<vmem>>, vector<1x16xf32>,
        %get3A_548 = vector.shape_cast %get3A_547 : vector<1x16xf32> to vector<16xf32>
        %mul3A_549 = vector.broadcast %squeeze3A_465 : f32 to vector<16xf32>
        %mul3A_550 = arith.mulf %mul3A_549, %get3A_548 : vector<16xf32>
        %add3A_551 = arith.addf %add3A_544, %mul3A_550 : vector<16xf32>
        %get3A_552 = arith.index_cast %add3A_459 : i32 to index
        %get3A_553 = arith.constant 224 : index
        %get3A_554 = tpu.vector_load %arg9[%get3A_552, %get3A_553] {strides = array<i32>} : memref<128x256xf32, #tpu.memory_space<vmem>>, vector<1x16xf32>,
        %get3A_555 = vector.shape_cast %get3A_554 : vector<1x16xf32> to vector<16xf32>
        %mul3A_556 = vector.broadcast %squeeze3A_467 : f32 to vector<16xf32>
        %mul3A_557 = arith.mulf %mul3A_556, %get3A_555 : vector<16xf32>
        %add3A_558 = arith.addf %add3A_551, %mul3A_557 : vector<16xf32>
        %swap3A_559 = arith.index_cast %add3A_459 : i32 to index
        %swap3A_560 = arith.constant 32 : index
        %swap3A_561 = tpu.vector_load %arg10[%swap3A_559, %swap3A_560] {strides = array<i32>} : memref<128x64xf32, #tpu.memory_space<vmem>>, vector<1x16xf32>,
        %swap3A_562 = vector.shape_cast %swap3A_561 : vector<1x16xf32> to vector<16xf32>
        %swap3A_563 = vector.shape_cast %add3A_558 : vector<16xf32> to vector<1x16xf32>
        tpu.vector_store %arg10[%swap3A_559, %swap3A_560], %swap3A_563 {strides = array<i32>} : memref<128x64xf32, #tpu.memory_space<vmem>>, vector<1x16xf32>,
        %get3A_564 = arith.index_cast %add3A_459 : i32 to index
        %get3A_565 = arith.constant 48 : index
        %get3A_566 = tpu.vector_load %arg9[%get3A_564, %get3A_565] {strides = array<i32>} : memref<128x256xf32, #tpu.memory_space<vmem>>, vector<1x16xf32>,
        %get3A_567 = vector.shape_cast %get3A_566 : vector<1x16xf32> to vector<16xf32>
        %mul3A_568 = vector.broadcast %squeeze3A_461 : f32 to vector<16xf32>
        %mul3A_569 = arith.mulf %mul3A_568, %get3A_567 : vector<16xf32>
        %get3A_570 = arith.index_cast %add3A_459 : i32 to index
        %get3A_571 = arith.constant 112 : index
        %get3A_572 = tpu.vector_load %arg9[%get3A_570, %get3A_571] {strides = array<i32>} : memref<128x256xf32, #tpu.memory_space<vmem>>, vector<1x16xf32>,
        %get3A_573 = vector.shape_cast %get3A_572 : vector<1x16xf32> to vector<16xf32>
        %mul3A_574 = vector.broadcast %squeeze3A_463 : f32 to vector<16xf32>
        %mul3A_575 = arith.mulf %mul3A_574, %get3A_573 : vector<16xf32>
        %add3A_576 = arith.addf %mul3A_569, %mul3A_575 : vector<16xf32>
        %get3A_577 = arith.index_cast %add3A_459 : i32 to index
        %get3A_578 = arith.constant 176 : index
        %get3A_579 = tpu.vector_load %arg9[%get3A_577, %get3A_578] {strides = array<i32>} : memref<128x256xf32, #tpu.memory_space<vmem>>, vector<1x16xf32>,
        %get3A_580 = vector.shape_cast %get3A_579 : vector<1x16xf32> to vector<16xf32>
        %mul3A_581 = vector.broadcast %squeeze3A_465 : f32 to vector<16xf32>
        %mul3A_582 = arith.mulf %mul3A_581, %get3A_580 : vector<16xf32>
        %add3A_583 = arith.addf %add3A_576, %mul3A_582 : vector<16xf32>
        %get3A_584 = arith.index_cast %add3A_459 : i32 to index
        %get3A_585 = arith.constant 240 : index
        %get3A_586 = tpu.vector_load %arg9[%get3A_584, %get3A_585] {strides = array<i32>} : memref<128x256xf32, #tpu.memory_space<vmem>>, vector<1x16xf32>,
        %get3A_587 = vector.shape_cast %get3A_586 : vector<1x16xf32> to vector<16xf32>
        %mul3A_588 = vector.broadcast %squeeze3A_467 : f32 to vector<16xf32>
        %mul3A_589 = arith.mulf %mul3A_588, %get3A_587 : vector<16xf32>
        %add3A_590 = arith.addf %add3A_583, %mul3A_589 : vector<16xf32>
        %swap3A_591 = arith.index_cast %add3A_459 : i32 to index
        %swap3A_592 = arith.constant 48 : index
        %swap3A_593 = tpu.vector_load %arg10[%swap3A_591, %swap3A_592] {strides = array<i32>} : memref<128x64xf32, #tpu.memory_space<vmem>>, vector<1x16xf32>,
        %swap3A_594 = vector.shape_cast %swap3A_593 : vector<1x16xf32> to vector<16xf32>
        %swap3A_595 = vector.shape_cast %add3A_590 : vector<16xf32> to vector<1x16xf32>
        tpu.vector_store %arg10[%swap3A_591, %swap3A_592], %swap3A_595 {strides = array<i32>} : memref<128x64xf32, #tpu.memory_space<vmem>>, vector<1x16xf32>,
      }
      %scan3A_30 = arith.constant 32 : i32
      %add3A_31 = arith.addi %mul3A_4, %add3A : i32
      "tpu.region"() ({
        %run_scoped3A = tpu.sem_alloc : memref<!tpu.dma_semaphore, #tpu.memory_space<semaphore_mem>>
        %dma_start3A_32 = arith.constant 0 : i32
        %dma_start3A_33 = tpu.memref_slice %arg5[%add3A_31, %dma_start3A_32] : memref<323584x64xf32, #tpu.memory_space<hbm>> -> memref<128x64xf32, #tpu.memory_space<hbm>>
        %dma_start3A_34 = arith.constant 0 : i32
        %dma_start3A_35 = tpu.memref_slice %arg5[%add3A_31, %dma_start3A_34] : memref<323584x64xf32, #tpu.memory_space<hbm>> -> memref<128x64xf32, #tpu.memory_space<hbm>>
        tpu.enqueue_dma source(%arg10 : memref<128x64xf32, #tpu.memory_space<vmem>>) target(%dma_start3A_35 : memref<128x64xf32, #tpu.memory_space<hbm>>) target_semaphore(%run_scoped3A : memref<!tpu.dma_semaphore, #tpu.memory_space<semaphore_mem>>)
        %dma_wait3A_36 = arith.constant 0 : i32
        %dma_wait3A_37 = tpu.memref_slice %arg5[%add3A_31, %dma_wait3A_36] : memref<323584x64xf32, #tpu.memory_space<hbm>> -> memref<128x64xf32, #tpu.memory_space<hbm>>
        %dma_wait3A_38 = arith.constant 0 : i32
        %dma_wait3A_39 = tpu.memref_slice %arg5[%add3A_31, %dma_wait3A_38] : memref<323584x64xf32, #tpu.memory_space<hbm>> -> memref<128x64xf32, #tpu.memory_space<hbm>>
        tpu.wait_dma2 semaphore(%run_scoped3A : memref<!tpu.dma_semaphore, #tpu.memory_space<semaphore_mem>>) src(%arg10 : memref<128x64xf32, #tpu.memory_space<vmem>>) dst(%dma_wait3A_39 : memref<128x64xf32, #tpu.memory_space<hbm>>)
        tpu.yield
      }) : () -> ()
    }
    %scan3A_9 = arith.constant 79 : i32
    return
  }
}

module attributes {stable_mosaic.version = 14 : i64} {
  func.func @_matmul_body(%arg0: i32, %arg1: i32, %arg2: memref<1000x128xf32, #tpu.memory_space<vmem>>, %arg3: memref<1x128x256xf32, #tpu.memory_space<vmem>>, %arg4: memref<1000x256xf32, #tpu.memory_space<vmem>>) attributes {dimension_semantics = [#tpu.dimension_semantics<arbitrary>, #tpu.dimension_semantics<arbitrary>], iteration_bounds = array<i64: 2, 10>, scalar_prefetch = 0 : i64, scratch_operands = 0 : i64, tpu.core_type = #tpu.core_type<tc>, window_params = [{transform_indices = @transform_0, window_bounds = array<i64: 1000, 128>}, {transform_indices = @transform_1, window_bounds = array<i64: 1, 128, 256>}, {transform_indices = @transform_2, window_bounds = array<i64: 1000, 256>}]} {
    %get3A = arith.constant 0 : index
    %get3A_0 = arith.constant 0 : index
    %get3A_1 = vector.load %arg2[%get3A, %get3A_0] : memref<1000x128xf32, #tpu.memory_space<vmem>>, vector<1000x128xf32>
    %get3A_2 = arith.constant 0 : index
    %get3A_3 = arith.constant 0 : index
    %get3A_4 = arith.constant 0 : index
    %get3A_5 = vector.load %arg3[%get3A_2, %get3A_3, %get3A_4] : memref<1x128x256xf32, #tpu.memory_space<vmem>>, vector<1x128x256xf32>
    %get3A_6 = vector.shape_cast %get3A_5 : vector<1x128x256xf32> to vector<128x256xf32>
    %dot_general3A = arith.constant dense<0.000000e+00> : vector<1000x256xf32>
    %dot_general3A_7 = tpu.matmul %get3A_1, %get3A_6, %dot_general3A {dimension_numbers = #tpu.dot_dimension_numbers<[1], [0], [0], [1], [0, 0, 1, 1], [], []>, transpose_lhs_hint = false} : vector<1000x128xf32>, vector<128x256xf32>, vector<1000x256xf32> -> vector<1000x256xf32>
    %mul3A = arith.constant 0.0110485433 : f32
    %mul3A_8 = vector.broadcast %mul3A : f32 to vector<1000x256xf32>
    %mul3A_9 = arith.mulf %mul3A_8, %dot_general3A_7 : vector<1000x256xf32>
    %swap3A = arith.constant 0 : index
    %swap3A_10 = arith.constant 0 : index
    %swap3A_11 = vector.load %arg4[%swap3A, %swap3A_10] : memref<1000x256xf32, #tpu.memory_space<vmem>>, vector<1000x256xf32>
    tpu.vector_store %arg4[%swap3A, %swap3A_10], %mul3A_9 {strides = array<i32>} : memref<1000x256xf32, #tpu.memory_space<vmem>>, vector<1000x256xf32>,
    return
  }
  func.func @transform_0(%arg0: i32, %arg1: i32) -> (i32, i32) {
    %c0_i32 = arith.constant 0 : i32
    %c0_i32_0 = arith.constant 0 : i32
    return %arg1, %c0_i32 : i32, i32
  }
  func.func @transform_1(%arg0: i32, %arg1: i32) -> (i32, i32, i32) {
    %c0_i32 = arith.constant 0 : i32
    %c0_i32_0 = arith.constant 0 : i32
    %c0_i32_1 = arith.constant 0 : i32
    return %arg0, %c0_i32, %c0_i32_0 : i32, i32, i32
  }
  func.func @transform_2(%arg0: i32, %arg1: i32) -> (i32, i32) {
    %mul3A = arith.constant 10 : i32
    %mul3A_0 = arith.muli %arg0, %mul3A : i32
    %add3A = arith.addi %mul3A_0, %arg1 : i32
    %c0_i32 = arith.constant 0 : i32
    %c0_i32_1 = arith.constant 0 : i32
    return %add3A, %c0_i32 : i32, i32
  }
}

module attributes {stable_mosaic.version = 14 : i64} {
  func.func @_segsum_body(%arg0: i32, %arg1: i32, %arg2: memref<1x1x512xi32, #tpu.memory_space<vmem>>, %arg3: memref<512x64xf32, #tpu.memory_space<vmem>>, %arg4: memref<512x64xf32, #tpu.memory_space<vmem>>, %arg5: memref<10000x128xf32, #tpu.memory_space<vmem>>) attributes {dimension_semantics = [#tpu.dimension_semantics<arbitrary>, #tpu.dimension_semantics<arbitrary>], iteration_bounds = array<i64: 1, 316>, scalar_prefetch = 0 : i64, scratch_operands = 0 : i64, tpu.core_type = #tpu.core_type<tc>, window_params = [{transform_indices = @transform_0, window_bounds = array<i64: 1, 1, 512>}, {transform_indices = @transform_1, window_bounds = array<i64: 512, 64>}, {transform_indices = @transform_2, window_bounds = array<i64: 512, 64>}, {pipeline_mode = #tpu.pipeline_mode<synchronous>, transform_indices = @transform_3, window_bounds = array<i64: 10000, 128>}]} {
    %eq3A = arith.constant 0 : i32
    %eq3A_0 = arith.cmpi eq, %arg1, %eq3A : i32
    %convert_element_type3A = arith.extui %eq3A_0 : i1 to i32
    %cond3A = arith.constant 0 : i32
    %cond3A_1 = arith.cmpi ne, %convert_element_type3A, %cond3A : i32
    scf.if %cond3A_1 {
      %broadcast_in_dim3A_27 = arith.constant 0.000000e+00 : f32
      %broadcast_in_dim3A_28 = vector.broadcast %broadcast_in_dim3A_27 : f32 to vector<10000x128xf32>
      %swap3A_29 = arith.constant 0 : index
      %swap3A_30 = arith.constant 0 : index
      %swap3A_31 = vector.load %arg5[%swap3A_29, %swap3A_30] : memref<10000x128xf32, #tpu.memory_space<vmem>>, vector<10000x128xf32>
      tpu.vector_store %arg5[%swap3A_29, %swap3A_30], %broadcast_in_dim3A_28 {strides = array<i32>} : memref<10000x128xf32, #tpu.memory_space<vmem>>, vector<10000x128xf32>,
    } else {
    }
    %get3A = arith.constant 0 : index
    %get3A_2 = arith.constant 0 : index
    %get3A_3 = arith.constant 0 : index
    %get3A_4 = vector.load %arg2[%get3A, %get3A_2, %get3A_3] : memref<1x1x512xi32, #tpu.memory_space<vmem>>, vector<1x1x512xi32>
    %get3A_5 = vector.shape_cast %get3A_4 : vector<1x1x512xi32> to vector<512xi32>
    %iota3A = tpu.iota {dimensions = array<i32: 0>} : vector<10000x512xi32>
    %mul3A = arith.constant 10000 : i32
    %mul3A_6 = arith.muli %arg0, %mul3A : i32
    %add3A = vector.broadcast %mul3A_6 : i32 to vector<10000x512xi32>
    %add3A_7 = arith.addi %iota3A, %add3A : vector<10000x512xi32>
    %broadcast_in_dim3A = vector.shape_cast %get3A_5 : vector<512xi32> to vector<1x512xi32>
    %eq3A_8 = vector.broadcast %broadcast_in_dim3A : vector<1x512xi32> to vector<10000x512xi32>
    %eq3A_9 = arith.cmpi eq, %add3A_7, %eq3A_8 : vector<10000x512xi32>
    %convert_element_type3A_10 = arith.extui %eq3A_9 : vector<10000x512xi1> to vector<10000x512xi32>
    %convert_element_type3A_11 = arith.sitofp %convert_element_type3A_10 : vector<10000x512xi32> to vector<10000x512xf32>
    %convert_element_type3A_12 = arith.truncf %convert_element_type3A_11 : vector<10000x512xf32> to vector<10000x512xbf16>
    %get3A_13 = arith.constant 0 : index
    %get3A_14 = arith.constant 0 : index
    %get3A_15 = vector.load %arg3[%get3A_13, %get3A_14] : memref<512x64xf32, #tpu.memory_space<vmem>>, vector<512x64xf32>
    %get3A_16 = arith.constant 0 : index
    %get3A_17 = arith.constant 0 : index
    %get3A_18 = vector.load %arg4[%get3A_16, %get3A_17] : memref<512x64xf32, #tpu.memory_space<vmem>>, vector<512x64xf32>
    %concatenate3A = tpu.concatenate %get3A_15, %get3A_18 in 1 : vector<512x64xf32>, vector<512x64xf32> -> vector<512x128xf32>
    %convert_element_type3A_19 = arith.truncf %concatenate3A : vector<512x128xf32> to vector<512x128xbf16>
    %get3A_20 = arith.constant 0 : index
    %get3A_21 = arith.constant 0 : index
    %get3A_22 = vector.load %arg5[%get3A_20, %get3A_21] : memref<10000x128xf32, #tpu.memory_space<vmem>>, vector<10000x128xf32>
    %dot_general3A = arith.constant dense<0.000000e+00> : vector<10000x128xf32>
    %dot_general3A_23 = tpu.matmul %convert_element_type3A_12, %convert_element_type3A_19, %dot_general3A {dimension_numbers = #tpu.dot_dimension_numbers<[1], [0], [0], [1], [0, 0, 1, 1], [], []>, transpose_lhs_hint = false} : vector<10000x512xbf16>, vector<512x128xbf16>, vector<10000x128xf32> -> vector<10000x128xf32>
    %add3A_24 = arith.addf %get3A_22, %dot_general3A_23 : vector<10000x128xf32>
    %swap3A = arith.constant 0 : index
    %swap3A_25 = arith.constant 0 : index
    %swap3A_26 = vector.load %arg5[%swap3A, %swap3A_25] : memref<10000x128xf32, #tpu.memory_space<vmem>>, vector<10000x128xf32>
    tpu.vector_store %arg5[%swap3A, %swap3A_25], %add3A_24 {strides = array<i32>} : memref<10000x128xf32, #tpu.memory_space<vmem>>, vector<10000x128xf32>,
    return
  }
  func.func @transform_0(%arg0: i32, %arg1: i32) -> (i32, i32, i32) {
    %c0_i32 = arith.constant 0 : i32
    %c0_i32_0 = arith.constant 0 : i32
    %c0_i32_1 = arith.constant 0 : i32
    return %arg1, %c0_i32, %c0_i32_0 : i32, i32, i32
  }
  func.func @transform_1(%arg0: i32, %arg1: i32) -> (i32, i32) {
    %c0_i32 = arith.constant 0 : i32
    %c0_i32_0 = arith.constant 0 : i32
    return %arg1, %c0_i32 : i32, i32
  }
  func.func @transform_2(%arg0: i32, %arg1: i32) -> (i32, i32) {
    %add3A = arith.constant 316 : i32
    %add3A_0 = arith.addi %add3A, %arg1 : i32
    %c0_i32 = arith.constant 0 : i32
    %c0_i32_1 = arith.constant 0 : i32
    return %add3A_0, %c0_i32 : i32, i32
  }
  func.func @transform_3(%arg0: i32, %arg1: i32) -> (i32, i32) {
    %c0_i32 = arith.constant 0 : i32
    %c0_i32_0 = arith.constant 0 : i32
    %c0_i32_1 = arith.constant 0 : i32
    return %c0_i32, %c0_i32_0 : i32, i32
  }
}

</mosaic_0001>

<sc_bundles>
// kernel: kernel.5.cloned.1.call-start
scs
__scs_entry_jumppad:
0x0: {  	(pc) =	sbr.rel $0x88, $3  }
0x1: {  	(tag) =	ssettag $0x0;
	lr =	simm.s32 $0x1  }
0x2: {  	[smem:$0x3F9D] =	sst lr;
	_ =	strace $0xD0000000  }
0x3: {  	_ = 	snop  }
0x4: {  	_ = 	snop  }
0x5: {  	_ = 	snop  }
0x6: {  	_ = 	snop  }
0x7: {  	_ = 	snop  }
__scs_overlays_trampoline_lowered:
0x8: {  	[smem:$0x3FAC] =	sst s0  }
0x9: {  	[smem:$0x3FAD] =	sst s1  }
0xa: {  	[smem:$0x3FAE] =	sst s2  }
0xb: {  	[smem:$0x3FAF] =	sst s3  }
0xc: {  	[smem:$0x3FB0] =	sst s4  }
0xd: {  	[smem:$0x3FB1] =	sst s5  }
0xe: {  	[smem:$0x3FB2] =	sst s6  }
0xf: {  	[smem:$0x3FB3] =	sst s7  }
0x10: {  	[smem:$0x3FB4] =	sst s8  }
0x11: {  	[smem:$0x3FB5] =	sst s9;
	s0 =	simm.s32 @!p0 $0x0  }
0x12: {  	s1 =	sld [smem:$0x3F9B];
	s0 =	simm.s32 @p0 $0x1  }
0x13: {  	[smem:$0x3FB6] =	sst s0;
	s0 =	simm.s32 @!p1 $0x0  }
0x14: {  	s2 =	sld [smem:$0x3F9A];
	s0 =	simm.s32 @p1 $0x1  }
0x15: {  	[smem:$0x3FB7] =	sst s0;
	s0 =	simm.s32 @!p2 $0x0  }
0x16: {  	s3 =	sld [smem:$0x3FDB];
	s0 =	simm.s32 @p2 $0x1  }
0x17: {  	s4 =	simm.s32 $0x1BF5;
	[smem:$0x3FB9] =	sst s0  }
0x18: {  	s0 =	sld [smem:$0x3F9C];
	_ =	swait.ge [sflag:s4], $0x0  }
0x19: {  	s7 =	sld [smem:$0x3F9D]  }
0x1a: {  	s8 =	sadd.s32 $0xFFFFE003, lr  }
0x1b: {  	s9 =	sadd.s32 $0xFFFFFEF7, lr;
	s5 =	simm.s32 $0xFFFFFFFF;
	p2 =	slt.u32 s8, $0xFFFFF086  }
0x1c: {  	p1 =	slt.u32 s9, $0xF7A;
	s5 =	simm.s32 @!p2 $0x0  }
0x1d: {  	s5 =	simm.s32 @p1 $0x1;
	p0 =	seq.s32 s7, s2  }
0x1e: {  	s7 =	smul.u32 @!p0 $0xF7A, s2;
	p2 =	seq.s32 @!p0 s5, $0x0  }
0x1f: {  	s9 =	smul.u32 $0xF7A, s1;
	s8 =	simm.s32 @!p0 $0x1BF5;
	p2 =	por !p2, p0  }
0x20: {  	[sflag:s8] =	ssyncset.s32 @!p0 $0xFFFFF086;
	s6 =	sadd.s32 @!p0 s3, s7;
	s7 =	simm.s32 @!p0 $0x108  }
0x21: {  	s3 =	sadd.s32 s3, s9;
	s6 =	sadd.s32 @!p0 $0x88, s6;
	s7 =	simm.s32 @p2 $0x1082  }
0x22: {  	[simem:s7], [sflag:s8] =	dma.local @!p0 [hbm:s6], $0xF7A  }
0x23: {  	s9 =	sor.u32 $0xD0000000, s2;
	s6 =	simm.s32 $0x108;
	_ =	swait.ge @!p0 [sflag:s8], $0x0  }
0x24: {  	s3 =	sadd.s32 $0x88, s3;
	s6 =	simm.s32 @!p1 $0x1082;
	[sflag:s4] =	ssyncset.s32 $0xFFFFF086  }
0x25: {  	[simem:s6], [sflag:s4] =	dma.local [hbm:s3], $0xF7A  }
0x26: {  	[smem:$0x3F9D] =	sst s1;
	(tag) =	ssettag s2;
	_ =	strace s9  }
0x27: {  	s1 =	sld [smem:$0x3FAD]  }
0x28: {  	s2 =	sld [smem:$0x3FAE]  }
0x29: {  	s4 =	sld [smem:$0x3FB0]  }
0x2a: {  	p0 =	seq.s32 s5, $0x0;
	s5 =	sld [smem:$0x3FB1]  }
0x2b: {  	s6 =	sld [smem:$0x3FB2]  }
0x2c: {  	s7 =	sld [smem:$0x3FB3]  }
0x2d: {  	s3 =	simm.s32 $0x108;
	s8 =	sld [smem:$0x3FB4]  }
0x2e: {  	s3 =	simm.s32 @!p0 $0x1082;
	s9 =	sld [smem:$0x3FB5]  }
0x2f: {  	lr =	sadd.s32 s0, s3;
	s0 =	sld [smem:$0x3FAC]  }
0x30: {  	s3 =	sld [smem:$0x3FAF]  }
0x31: {  	[smem:$0x3FB8] =	sst s10  }
0x32: {  	s10 =	sld [smem:$0x3FB6];
	_ =	sdelay $0x3  }
0x33: {  	p0 =	seq.s32 s10, $0x1;
	s10 =	sld [smem:$0x3FB8];
	_ =	sdelay $0x3  }
0x34: {  	[smem:$0x3FB8] =	sst s10  }
0x35: {  	s10 =	sld [smem:$0x3FB7];
	_ =	sdelay $0x3  }
0x36: {  	p1 =	seq.s32 s10, $0x1;
	s10 =	sld [smem:$0x3FB8];
	_ =	sdelay $0x3  }
0x37: {  	[smem:$0x3FB8] =	sst s10  }
0x38: {  	s10 =	sld [smem:$0x3FB9]  }
0x39: {  	_ = 	snop;
	(pc) =	sbr.ind lr, $3  }
0x3a: {  	_ = 	snop  }
0x3b: {  	_ = 	snop  }
0x3c: {  	p2 =	seq.s32 s10, $0x1;
	s10 =	sld [smem:$0x3FB8]  }
0x3d: {  	_ =	shalt  }
0x3e: {  	_ =	shalt  }
0x3f: {  	_ =	shalt  }
0x40: {  	_ =	shalt  }
0x41: {  	_ =	shalt  }
0x42: {  	_ =	shalt  }
0x43: {  	_ =	shalt  }
0x44: {  	_ =	shalt  }
0x45: {  	_ =	shalt  }
0x46: {  	_ =	shalt  }
0x47: {  	_ =	shalt  }
0x48: {  	_ =	shalt  }
0x49: {  	_ =	shalt  }
0x4a: {  	_ =	shalt  }
0x4b: {  	_ =	shalt  }
0x4c: {  	_ =	shalt  }
0x4d: {  	_ =	shalt  }
0x4e: {  	_ =	shalt  }
0x4f: {  	_ =	shalt  }
0x50: {  	_ =	shalt  }
0x51: {  	_ =	shalt  }
0x52: {  	_ =	shalt  }
0x53: {  	_ =	shalt  }
0x54: {  	_ =	shalt  }
0x55: {  	_ =	shalt  }
0x56: {  	_ =	shalt  }
0x57: {  	_ =	shalt  }
0x58: {  	_ =	shalt  }
0x59: {  	_ =	shalt  }
0x5a: {  	_ =	shalt  }
0x5b: {  	_ =	shalt  }
0x5c: {  	_ =	shalt  }
0x5d: {  	_ =	shalt  }
0x5e: {  	_ =	shalt  }
0x5f: {  	_ =	shalt  }
0x60: {  	_ =	shalt  }
0x61: {  	_ =	shalt  }
0x62: {  	_ =	shalt  }
0x63: {  	_ =	shalt  }
0x64: {  	_ =	shalt  }
0x65: {  	_ =	shalt  }
0x66: {  	_ =	shalt  }
0x67: {  	_ =	shalt  }
0x68: {  	_ =	shalt  }
0x69: {  	_ =	shalt  }
0x6a: {  	_ =	shalt  }
0x6b: {  	_ =	shalt  }
0x6c: {  	_ =	shalt  }
0x6d: {  	_ =	shalt  }
0x6e: {  	_ =	shalt  }
0x6f: {  	_ =	shalt  }
0x70: {  	_ =	shalt  }
0x71: {  	_ =	shalt  }
0x72: {  	_ =	shalt  }
0x73: {  	_ =	shalt  }
0x74: {  	_ =	shalt  }
0x75: {  	_ =	shalt  }
0x76: {  	_ =	shalt  }
0x77: {  	_ =	shalt  }
0x78: {  	_ =	shalt  }
0x79: {  	_ =	shalt  }
0x7a: {  	_ =	shalt  }
0x7b: {  	_ =	shalt  }
0x7c: {  	_ =	shalt  }
0x7d: {  	_ =	shalt  }
0x7e: {  	_ =	shalt  }
0x7f: {  	_ =	shalt  }
0x80: {  	_ =	shalt  }
0x81: {  	_ =	shalt  }
0x82: {  	_ =	shalt  }
0x83: {  	_ =	shalt  }
0x84: {  	_ =	shalt  }
0x85: {  	_ =	shalt  }
0x86: {  	_ =	shalt  }
0x87: {  	_ =	shalt  }
.Lfunc_end0:
.L_simem_size_0:
called_computation_lowered:
.L_overlay_start_0:
0x88: {  	s2 =	sld [smem:$0x3FD9]  }
0x89: {  	s3 =	sld [smem:$0x3FFE];
	_ =	sdelay $0x1  }
0x8a: {  	s1 =	srdreg.scid  }
0x8b: {  	s0 =	sand.u32 $0x1, s1  }
0x8c: {  	s17 =	sshll.u32 s0, $0xA;
	s2 =	sadd.s32 s3, s2  }
0x8d: {  	s2 =	sadd.s32 s2, s17  }
0x8e: {  	[smem:$0x3FC4] =	sst s2  }
0x8f: {  	_ = 	snop  }
0x90: {  	s2 =	sld [smem:$0x3FD0];
	(tm) =	ssettm $0x1  }
0x91: {  	s18 =	sld [smem:$0x3FFB];
	_ =	sdelay $0x3  }
0x92: {  	_ =	strace s18  }
0x93: {  	s3 =	sld [smem:$0x3FFC];
	_ =	sdelay $0x3  }
0x94: {  	_ =	strace s3  }
0x95: {  	s3 =	sld [smem:$0x3FFD];
	_ =	sdelay $0x3  }
0x96: {  	_ =	strace s3  }
0x97: {  	_ =	strace $0x8FFFFFFF  }
0x98: {  	s19 =	sld [smem:$0x3FDB];
	_ =	sdelay $0x1  }
0x99: {  	s4 =	simm.s32 $_scs_section_size  }
0x9a: {  	s5 =	simm.s32 $_size__tile_overlayer_lowered;
	s6 =	simm.s32 $_tile_overlayer_lowered  }
0x9b: {  	s22 =	simm.s32 $0x1BFF;
	s21 =	sshll.u32 s6, $0x1;
	s3 =	sadd.s32 s4, s19  }
0x9c: {  	s7 =	simm.s32 $0x0;
	s20 =	sshll.u32 s5, $0x1;
	s5 =	sadd.s32 s21, s3  }
0x9d: {  	[timem:s7], [sflag:s22] =	dma.local [hbm:s5], s20  }
0x9e: {  	_ =	swait.ge [sflag:s22], s20  }
0x9f: {  	s4 =	ssub.s32 $0x0, s20;
	[sflag:s22] =	ssyncset.done $0x0  }
0xa0: {  	[sflag:s22] =	ssyncadd.s32 s4;
	_ =	sdelay $0x1  }
0xa1: {  	s23 =	simm.s32 $0x1B8B  }
0xa2: {  	_ =	swait.ge [sflag:s23], $0x1  }
0xa3: {  	[sflag:s23] =	ssyncset.done $0x0  }
0xa4: {  	s25 =	simm.s32 $0x1B8E;
	s24 =	sld [smem:$0x3FFE];
	[sflag:s23] =	ssyncadd.s32 $0xFFFFFFFF  }
0xa5: {  	s26 =	simm.s32 $execute0_lowered;
	[smem:$0x3FD2] =	sst s25  }
0xa6: {  	s5 =	sshll.u32 s26, $0x1;
	_ =	strace $0x80000046;
	[dreg:$0x1] =	wrdreg $0xFFFFFFFF  }
0xa7: {  	s28 =	simm.s32 $_size_execute0_lowered;
	s3 =	sadd.s32 s3, s5;
	[dreg:$0x0] =	wrdreg $0x0  }
0xa8: {  	s5 =	sshll.u32 s28, $0x1;
	[dreg:$0x2] =	wrdreg s3  }
0xa9: {  	[dreg:$0x3] =	wrdreg s5  }
0xaa: {  	[dreg:$0x4] =	wrdreg $0xC0  }
0xab: {  	_ =	task [dreg:s7], $0x5FFFF  }
0xac: {  	[dreg:$0x1] =	wrdreg $0xFFFFFFFF  }
0xad: {  	[dreg:$0x0] =	wrdreg $0x60  }
0xae: {  	[dreg:$0x2] =	wrdreg s24  }
0xaf: {  	[dreg:$0x3] =	wrdreg s2  }
0xb0: {  	[dreg:$0x4] =	wrdreg $0x9  }
0xb1: {  	_ =	task.clear_ibuf [dreg:s7], $0x5FFFF;
	_ =	strace $0x90000046  }
0xb2: {  	s29 =	simm.s32 $0x9;
	_ =	strace $0x80000048  }
0xb3: {  	_ =	swait.ge [sflag:s29], $0x1  }
0xb4: {  	[sflag:s29] =	ssyncadd.s32 $0xFFFFFFFF  }
0xb5: {  	_ =	strace $0x90000048  }
0xb6: {  	_ =	sfence  }
0xb7: {  	s30 =	sld [smem:$0x0];
	_ =	sdelay $0x2  }
0xb8: {  	s31 =	sshll.u32 s1, $0xD;
	s1 =	sshrl.u32 s1, $0x2  }
0xb9: {  	s3 =	sand.u32 $0x4000, s31;
	s1 =	sadd.s32 s1, s30  }
0xba: {  	s0 =	sor.u32 s3, s0;
	s1 =	sshll.u32 s1, $0x11  }
0xbb: {  	s0 =	sor.u32 s1, s0  }
0xbc: {  	s0 =	sadd.s32 $0x8F2B, s0  }
0xbd: {  	[sflag:s0] =	ssyncadd.remote.s32 $0x1  }
0xbe: {  	_ =	sfence.sel $0xFFFF  }
0xbf: {  	[dreg:$0x0] =	wrdreg $0xFFFFFFFF;
	(pc) =	sbr.abs _section_cstart, $3  }
0xc0: {  	[dreg:$0x1] =	wrdreg $0xFFFFFFFF  }
0xc1: {  	_ =	task.clear_ibuf [dreg:s7], $0x2FFFF;
	_ =	strace $0x9FFFFFFF  }
0xc2: {  	(tm) =	ssettm $0x7FFFFFFF  }
0xc3: {  	_ =	shalt  }
tec
execute0_lowered:
.L_overlay_start_1:
0x0: {  	(tag) =	ssettag $0x1  }
0x1: {  	s0 =	rddreg [dreg:$0x0];
	s1 =	simm.s32 $0x0  }
0x2: {  	s26 =	srdreg.scid;
	s3 =	stileid.u32;
	s10 =	simm.s32 $0x2  }
0x3: {  	s20 =	simm.s32 $0x4B00;
	s21 =	simm.s32 $0x5300;
	s22 =	simm.s32 $0x5B00  }
0x4: {  	s23 =	simm.s32 $0x6300;
	s24 =	simm.s32 $0x6B00;
	s25 =	simm.s32 $0x7300  }
0x5: {  	s28 =	simm.s32 $0x1;
	[smem:$0x7FF] =	sst s1;
	s1 =	sand.u32 $0x1, s26  }
0x6: {  	s29 =	simm.s32 $0x8300;
	s4 =	sadd.s32 $0xC00, s0;
	s2 =	ssub.s32 $0x2, s1  }
0x7: {  	s5 =	smul.u32 $0x2780, s3;
	s6 =	sadd.s32 $0x9D000, s0;
	s30 =	sshrl.u32 s2, $0x1  }
0x8: {  	v3 =	vlaneseq.u32;
	s7 =	sadd.s32 $0xA7000, s0;
	s9 =	smul.u32 $0x2710, s1;
	s31 =	ssub.s32 s2, s30  }
0x9: {  	vm0 =	vmmov $0xffff;
	v1 =	vand.u32 $0x7, v3;
	v2 =	vshrl.u32 v3, $0x3;
	s26 =	simm.s32 $0x7B00;
	_ =	strace $0x80000047;
	s0 =	smax.u32 s31, $0x1  }
0xa: {  	v3 =	vor.u32 $0x8, v3;
	s8 =	smul.u32 $0x27800, s1;
	v2 =	vmul.u32 $0x8, v2;
	s1 =	simm.s32 $0x0;
	v0 =	vmov s9;
	[dreg:$0x3] =	wrdreg s0  }
.LBB2_1:
0xb: {  	[dreg:$0x4] =	wrdreg s1;
	s31 =	simm.s32 $0x0  }
.LBB2_2:
0xc: {  	s0 =	sshll.u32 s31, $0x7  }
0xd: {  	s0 =	sadd.s32 s5, s0  }
0xe: {  	s1 =	sshrl.u32 s0, $0x3  }
0xf: {  	s2 =	simm.s32 $0x0;
	s1 =	sadd.s32 s6, s1  }
0x10: {  	[tilespmem:s2], [sflag:$0x2] =	stream.linear.gather [hbm4b:s1+s2], $0x80, $0x38;
	[tilespmem:$0xC300] =	vst v63  }
0x11: {  	_ =	swait.ge [sflag:s10], $0x80  }
0x12: {  	[sflag:s10] =	ssyncset.done $0x0  }
0x13: {  	[sflag:s10] =	ssyncadd.s32 $0xFFFFFF80  }
0x14: {  	s19 =	sshrl.u32 s0, $0x1;
	s3 =	rddreg [dreg:$0x1]  }
0x15: {  	s1 =	sadd.s32 s3, s19;
	s3 =	simm.s32 $0x100  }
0x16: {  	[tilespmem:s3], [sflag:$0x2] =	stream.linear.gather [hbm4b:s1+s2], $0x200, $0x38;
	[tilespmem:$0xC300] =	vst v63  }
0x17: {  	_ =	swait.ge [sflag:s10], $0x200  }
0x18: {  	[sflag:s10] =	ssyncset.done $0x0  }
0x19: {  	[sflag:s10] =	ssyncadd.s32 $0xFFFFFE00  }
0x1a: {  	v4 =	vld [tilespmem:$0x0];
	_ =	sdelay $0x2  }
0x1b: {  	v5 =	vld [tilespmem:$0x10]  }
0x1c: {  	v6 =	vld [tilespmem:$0x20]  }
0x1d: {  	v8 =	vld [tilespmem:$0x30];
	v7 =	vadd.s32 v0, v4  }
0x1e: {  	v9 =	vld [tilespmem:$0x40];
	v10 =	vshll.u32 v7, $0x1  }
0x1f: {  	v11 =	vld [tilespmem:$0x50];
	v4 =	vand.u32 $0x7, v4;
	v10 =	vand.u32 $0xFFFFFFF0, v10  }
0x20: {  	v5 =	vadd.s32 v0, v5;
	[tilespmem:$0x80] =	vst v7;
	v7 =	vld [tilespmem:$0x60];
	v4 =	vor.u32 v4, v10  }
0x21: {  	[tilespmem:$0x90] =	vst v5;
	v5 =	vadd.s32 v0, v6;
	v6 =	vld [tilespmem:$0x70];
	v10 =	vperm.xlane v4, v1  }
0x22: {  	[tilespmem:$0xA0] =	vst v5;
	v5 =	vadd.s32 v0, v8  }
0x23: {  	[tilespmem:$0xB0] =	vst v5;
	v5 =	vadd.s32 v0, v9;
	v4 =	vperm.xlane v4, v3;
	v34 =	vadd.s32 v2, v10  }
0x24: {  	[tilespmem:$0xC0] =	vst v5;
	v5 =	vadd.s32 v0, v11  }
0x25: {  	[tilespmem:$0xD0] =	vst v5;
	v5 =	vadd.s32 v0, v7;
	v4 =	vadd.s32 v2, v4  }
0x26: {  	[tilespmem:$0xE0] =	vst v5;
	v5 =	vadd.s32 v0, v6  }
0x27: {  	s9 =	simm.s32 $0x300;
	[tilespmem:$0xF0] =	vst v5  }
0x28: {  	[tilespmem:s9], [sflag:$0x1] =	stream.indirect_vreg.gather [hbm4b:s4+s2], $0x80, v34, vm0, $0xb8;
	[tilespmem:$0xC300] =	vst v63  }
0x29: {  	s11 =	simm.s32 $0xB00  }
0x2a: {  	[tilespmem:s11], [sflag:$0x1] =	stream.indirect_vreg.gather [hbm4b:s4+s2], $0x80, v4, vm0, $0xb8;
	[tilespmem:$0xC300] =	vst v63  }
0x2b: {  	v4 =	vld [tilespmem:$0x90];
	_ =	sdelay $0x4  }
0x2c: {  	v5 =	vshll.u32 v4, $0x1  }
0x2d: {  	v4 =	vand.u32 $0x7, v4;
	v5 =	vand.u32 $0xFFFFFFF0, v5  }
0x2e: {  	v4 =	vor.u32 v4, v5  }
0x2f: {  	v5 =	vperm.xlane v4, v1;
	_ =	sdelay $0x1  }
0x30: {  	v4 =	vperm.xlane v4, v3;
	v5 =	vadd.s32 v2, v5;
	_ =	sdelay $0x1  }
0x31: {  	v4 =	vadd.s32 v2, v4;
	_ =	sdelay $0x1  }
0x32: {  	s12 =	simm.s32 $0x1300  }
0x33: {  	[tilespmem:s12], [sflag:$0x1] =	stream.indirect_vreg.gather [hbm4b:s4+s2], $0x80, v5, vm0, $0xb8;
	[tilespmem:$0xC300] =	vst v63  }
0x34: {  	s13 =	simm.s32 $0x1B00  }
0x35: {  	[tilespmem:s13], [sflag:$0x1] =	stream.indirect_vreg.gather [hbm4b:s4+s2], $0x80, v4, vm0, $0xb8;
	[tilespmem:$0xC300] =	vst v63  }
0x36: {  	v4 =	vld [tilespmem:$0xA0];
	_ =	sdelay $0x4  }
0x37: {  	v5 =	vshll.u32 v4, $0x1  }
0x38: {  	v4 =	vand.u32 $0x7, v4;
	v5 =	vand.u32 $0xFFFFFFF0, v5  }
0x39: {  	v4 =	vor.u32 v4, v5  }
0x3a: {  	v5 =	vperm.xlane v4, v1;
	_ =	sdelay $0x1  }
0x3b: {  	v4 =	vperm.xlane v4, v3;
	v5 =	vadd.s32 v2, v5;
	_ =	sdelay $0x1  }
0x3c: {  	v4 =	vadd.s32 v2, v4;
	_ =	sdelay $0x1  }
0x3d: {  	s14 =	simm.s32 $0x2300  }
0x3e: {  	[tilespmem:s14], [sflag:$0x1] =	stream.indirect_vreg.gather [hbm4b:s4+s2], $0x80, v5, vm0, $0xb8;
	[tilespmem:$0xC300] =	vst v63  }
0x3f: {  	s15 =	simm.s32 $0x2B00  }
0x40: {  	[tilespmem:s15], [sflag:$0x1] =	stream.indirect_vreg.gather [hbm4b:s4+s2], $0x80, v4, vm0, $0xb8;
	[tilespmem:$0xC300] =	vst v63  }
0x41: {  	v4 =	vld [tilespmem:$0xB0];
	_ =	sdelay $0x4  }
0x42: {  	v5 =	vshll.u32 v4, $0x1  }
0x43: {  	v4 =	vand.u32 $0x7, v4;
	v5 =	vand.u32 $0xFFFFFFF0, v5  }
0x44: {  	v4 =	vor.u32 v4, v5  }
0x45: {  	v5 =	vperm.xlane v4, v1;
	_ =	sdelay $0x1  }
0x46: {  	v4 =	vperm.xlane v4, v3;
	v5 =	vadd.s32 v2, v5;
	_ =	sdelay $0x1  }
0x47: {  	v4 =	vadd.s32 v2, v4;
	_ =	sdelay $0x1  }
0x48: {  	s16 =	simm.s32 $0x3300  }
0x49: {  	[tilespmem:s16], [sflag:$0x1] =	stream.indirect_vreg.gather [hbm4b:s4+s2], $0x80, v5, vm0, $0xb8;
	[tilespmem:$0xC300] =	vst v63  }
0x4a: {  	s17 =	simm.s32 $0x3B00  }
0x4b: {  	[tilespmem:s17], [sflag:$0x1] =	stream.indirect_vreg.gather [hbm4b:s4+s2], $0x80, v4, vm0, $0xb8;
	[tilespmem:$0xC300] =	vst v63  }
0x4c: {  	v4 =	vld [tilespmem:$0xC0];
	_ =	sdelay $0x4  }
0x4d: {  	v5 =	vshll.u32 v4, $0x1  }
0x4e: {  	v4 =	vand.u32 $0x7, v4;
	v5 =	vand.u32 $0xFFFFFFF0, v5  }
0x4f: {  	v4 =	vor.u32 v4, v5  }
0x50: {  	v5 =	vperm.xlane v4, v1;
	_ =	sdelay $0x1  }
0x51: {  	v4 =	vperm.xlane v4, v3;
	v5 =	vadd.s32 v2, v5;
	_ =	sdelay $0x1  }
0x52: {  	v4 =	vadd.s32 v2, v4;
	_ =	sdelay $0x1  }
0x53: {  	s18 =	simm.s32 $0x4300  }
0x54: {  	[tilespmem:s18], [sflag:$0x1] =	stream.indirect_vreg.gather [hbm4b:s4+s2], $0x80, v5, vm0, $0xb8;
	[tilespmem:$0xC300] =	vst v63  }
0x55: {  	_ = 	snop  }
0x56: {  	[tilespmem:s20], [sflag:$0x1] =	stream.indirect_vreg.gather [hbm4b:s4+s2], $0x80, v4, vm0, $0xb8;
	[tilespmem:$0xC300] =	vst v63  }
0x57: {  	v4 =	vld [tilespmem:$0xD0];
	_ =	sdelay $0x4  }
0x58: {  	v5 =	vshll.u32 v4, $0x1  }
0x59: {  	v4 =	vand.u32 $0x7, v4;
	v5 =	vand.u32 $0xFFFFFFF0, v5  }
0x5a: {  	v4 =	vor.u32 v4, v5  }
0x5b: {  	v5 =	vperm.xlane v4, v1;
	_ =	sdelay $0x1  }
0x5c: {  	v4 =	vperm.xlane v4, v3;
	v5 =	vadd.s32 v2, v5;
	_ =	sdelay $0x1  }
0x5d: {  	v4 =	vadd.s32 v2, v4;
	_ =	sdelay $0x2  }
0x5e: {  	[tilespmem:s21], [sflag:$0x1] =	stream.indirect_vreg.gather [hbm4b:s4+s2], $0x80, v5, vm0, $0xb8;
	[tilespmem:$0xC300] =	vst v63  }
0x5f: {  	_ = 	snop  }
0x60: {  	[tilespmem:s22], [sflag:$0x1] =	stream.indirect_vreg.gather [hbm4b:s4+s2], $0x80, v4, vm0, $0xb8;
	[tilespmem:$0xC300] =	vst v63  }
0x61: {  	v4 =	vld [tilespmem:$0xE0];
	_ =	sdelay $0x4  }
0x62: {  	v5 =	vshll.u32 v4, $0x1  }
0x63: {  	v4 =	vand.u32 $0x7, v4;
	v5 =	vand.u32 $0xFFFFFFF0, v5  }
0x64: {  	v4 =	vor.u32 v4, v5  }
0x65: {  	v5 =	vperm.xlane v4, v1;
	_ =	sdelay $0x1  }
0x66: {  	v4 =	vperm.xlane v4, v3;
	v5 =	vadd.s32 v2, v5;
	_ =	sdelay $0x1  }
0x67: {  	v4 =	vadd.s32 v2, v4;
	_ =	sdelay $0x2  }
0x68: {  	[tilespmem:s23], [sflag:$0x1] =	stream.indirect_vreg.gather [hbm4b:s4+s2], $0x80, v5, vm0, $0xb8;
	[tilespmem:$0xC300] =	vst v63  }
0x69: {  	_ = 	snop  }
0x6a: {  	[tilespmem:s24], [sflag:$0x1] =	stream.indirect_vreg.gather [hbm4b:s4+s2], $0x80, v4, vm0, $0xb8;
	[tilespmem:$0xC300] =	vst v63  }
0x6b: {  	v4 =	vld [tilespmem:$0xF0];
	_ =	sdelay $0x4  }
0x6c: {  	v5 =	vshll.u32 v4, $0x1  }
0x6d: {  	v4 =	vand.u32 $0x7, v4;
	v5 =	vand.u32 $0xFFFFFFF0, v5  }
0x6e: {  	v4 =	vor.u32 v4, v5  }
0x6f: {  	v5 =	vperm.xlane v4, v1;
	_ =	sdelay $0x1  }
0x70: {  	v4 =	vperm.xlane v4, v3;
	v5 =	vadd.s32 v2, v5;
	_ =	sdelay $0x1  }
0x71: {  	v4 =	vadd.s32 v2, v4;
	_ =	sdelay $0x2  }
0x72: {  	[tilespmem:s25], [sflag:$0x1] =	stream.indirect_vreg.gather [hbm4b:s4+s2], $0x80, v5, vm0, $0xb8;
	[tilespmem:$0xC300] =	vst v63  }
0x73: {  	_ = 	snop  }
0x74: {  	[tilespmem:s26], [sflag:$0x1] =	stream.indirect_vreg.gather [hbm4b:s4+s2], $0x80, v4, vm0, $0xb8;
	[tilespmem:$0xC300] =	vst v63  }
0x75: {  	s19 =	sand.u32 $0x7800, s2;
	_ =	swait.ge [sflag:s28], $0x8000  }
0x76: {  	p0 =	por $0x0, $0x0;
	s1 =	sor.u32 $0x300, s19;
	[sflag:s28] =	ssyncset.done $0x0  }
0x77: {  	s9 =	sand.u32 $0x200, s2;
	s11 =	simm.s32 $0x1;
	[sflag:s28] =	ssyncadd.s32 $0xFFFF8000  }
0x78: {  	s11 =	simm.s32 @!p0 $0x0;
	s12 =	sadd.s32 s9, s1;
	v4 =	vld [tilespmem:s3+$0x0]  }
0x79: {  	s11 =	sshll.u32 s11, $0x9;
	v5 =	vld [tilespmem:s12+$0x0]  }
0x7a: {  	s3 =	sadd.s32 $0x0, s11;
	v6 =	vld [tilespmem:s12+$0x40]  }
0x7b: {  	s13 =	sor.u32 $0x400, s3  }
0x7c: {  	v7 =	vld [tilespmem:s13+$0x300]  }
0x7d: {  	s14 =	sor.u32 $0x440, s3;
	v35 =	vbroadcast v4, $0x0;
	v36 =	vbroadcast v4, $0x1  }
0x7e: {  	v37 =	vld [tilespmem:s14+$0x300];
	v38 =	vbroadcast v4, $0x2  }
0x7f: {  	v5 =	vmul.f32 v5, v35;
	v6 =	vmul.f32 v6, v36;
	_ =	sdelay $0x1  }
0x80: {  	v5 =	vadd.f32 v6, v5;
	v6 =	vmul.f32 v7, v38;
	v7 =	vbroadcast v4, $0x3;
	_ =	sdelay $0x1  }
0x81: {  	v5 =	vadd.f32 v6, v5;
	v6 =	vmul.f32 v37, v7;
	_ =	sdelay $0x1  }
0x82: {  	v5 =	vadd.f32 v6, v5  }
0x83: {  	s9 =	simm.s32 $0x8400  }
0x84: {  	[tilespmem:s9+$0xFFFFFF00] =	vst v5  }
0x85: {  	v5 =	vld [tilespmem:s12+$0x10]  }
0x86: {  	v6 =	vld [tilespmem:s12+$0x50]  }
0x87: {  	s15 =	sor.u32 $0x410, s3  }
0x88: {  	v39 =	vld [tilespmem:s15+$0x300]  }
0x89: {  	s16 =	sor.u32 $0x450, s3  }
0x8a: {  	v12 =	vld [tilespmem:s16+$0x300]  }
0x8b: {  	v5 =	vmul.f32 v5, v35;
	v6 =	vmul.f32 v6, v36;
	_ =	sdelay $0x1  }
0x8c: {  	v5 =	vadd.f32 v6, v5;
	v6 =	vmul.f32 v39, v38;
	_ =	sdelay $0x1  }
0x8d: {  	v5 =	vadd.f32 v6, v5;
	v6 =	vmul.f32 v12, v7;
	_ =	sdelay $0x1  }
0x8e: {  	v5 =	vadd.f32 v6, v5;
	_ =	sdelay $0x1  }
0x8f: {  	[tilespmem:s9+$0xFFFFFF10] =	vst v5  }
0x90: {  	v5 =	vld [tilespmem:s12+$0x20]  }
0x91: {  	v6 =	vld [tilespmem:s12+$0x60]  }
0x92: {  	s17 =	sor.u32 $0x420, s3  }
0x93: {  	v40 =	vld [tilespmem:s17+$0x300]  }
0x94: {  	s18 =	sor.u32 $0x460, s3  }
0x95: {  	v41 =	vld [tilespmem:s18+$0x300]  }
0x96: {  	v5 =	vmul.f32 v5, v35;
	v6 =	vmul.f32 v6, v36;
	_ =	sdelay $0x1  }
0x97: {  	v5 =	vadd.f32 v6, v5;
	v6 =	vmul.f32 v40, v38;
	_ =	sdelay $0x1  }
0x98: {  	v5 =	vadd.f32 v6, v5;
	v6 =	vmul.f32 v41, v7;
	_ =	sdelay $0x1  }
0x99: {  	v5 =	vadd.f32 v6, v5;
	_ =	sdelay $0x1  }
0x9a: {  	[tilespmem:s9+$0xFFFFFF20] =	vst v5  }
0x9b: {  	v5 =	vld [tilespmem:s12+$0x30]  }
0x9c: {  	v6 =	vld [tilespmem:s12+$0x70]  }
0x9d: {  	s19 =	sor.u32 $0x430, s3  }
0x9e: {  	v42 =	vld [tilespmem:s19+$0x300]  }
0x9f: {  	s3 =	sor.u32 $0x470, s3  }
0xa0: {  	v43 =	vld [tilespmem:s3+$0x300]  }
0xa1: {  	v5 =	vmul.f32 v5, v35;
	v6 =	vmul.f32 v6, v36;
	_ =	sdelay $0x1  }
0xa2: {  	v5 =	vadd.f32 v6, v5;
	v6 =	vmul.f32 v42, v38;
	_ =	sdelay $0x1  }
0xa3: {  	v7 =	vmul.f32 v43, v7;
	v5 =	vadd.f32 v6, v5;
	_ =	sdelay $0x1  }
0xa4: {  	s12 =	simm.s32 $0x80;
	v5 =	vadd.f32 v7, v5  }
0xa5: {  	s13 =	sand.u32 $0x7, s2;
	s3 =	sand.u32 $0x280, s12  }
0xa6: {  	s11 =	sshll.u32 s13, $0x7;
	s14 =	sadd.s32 s3, s1;
	[tilespmem:s9+$0xFFFFFF30] =	vst v5  }
0xa7: {  	s3 =	sadd.s32 $0x0, s11;
	v5 =	vld [tilespmem:s14+$0x0]  }
0xa8: {  	s11 =	sadd.s32 $0x80, s3;
	v6 =	vld [tilespmem:s14+$0x40]  }
0xa9: {  	s13 =	sor.u32 $0x400, s11  }
0xaa: {  	v7 =	vld [tilespmem:s13+$0x300]  }
0xab: {  	v44 =	vbroadcast v4, $0x4;
	v45 =	vbroadcast v4, $0x5;
	s15 =	sor.u32 $0x440, s11  }
0xac: {  	v47 =	vbroadcast v4, $0x6;
	v46 =	vld [tilespmem:s15+$0x300]  }
0xad: {  	v5 =	vmul.f32 v5, v44;
	v6 =	vmul.f32 v6, v45;
	_ =	sdelay $0x1  }
0xae: {  	v5 =	vadd.f32 v6, v5;
	v6 =	vmul.f32 v7, v47;
	v7 =	vbroadcast v4, $0x7;
	_ =	sdelay $0x1  }
0xaf: {  	v5 =	vadd.f32 v6, v5;
	v6 =	vmul.f32 v46, v7;
	_ =	sdelay $0x1  }
0xb0: {  	v5 =	vadd.f32 v6, v5;
	_ =	sdelay $0x1  }
0xb1: {  	[tilespmem:s9+$0xFFFFFF80] =	vst v5  }
0xb2: {  	v5 =	vld [tilespmem:s14+$0x10]  }
0xb3: {  	v6 =	vld [tilespmem:s14+$0x50]  }
0xb4: {  	s16 =	sor.u32 $0x410, s11  }
0xb5: {  	v48 =	vld [tilespmem:s16+$0x300]  }
0xb6: {  	s17 =	sor.u32 $0x450, s11  }
0xb7: {  	v49 =	vld [tilespmem:s17+$0x300]  }
0xb8: {  	v5 =	vmul.f32 v5, v44;
	v6 =	vmul.f32 v6, v45;
	_ =	sdelay $0x1  }
0xb9: {  	v5 =	vadd.f32 v6, v5;
	v6 =	vmul.f32 v48, v47;
	_ =	sdelay $0x1  }
0xba: {  	v5 =	vadd.f32 v6, v5;
	v6 =	vmul.f32 v49, v7;
	_ =	sdelay $0x1  }
0xbb: {  	v5 =	vadd.f32 v6, v5;
	_ =	sdelay $0x1  }
0xbc: {  	[tilespmem:s9+$0xFFFFFF90] =	vst v5  }
0xbd: {  	v5 =	vld [tilespmem:s14+$0x20]  }
0xbe: {  	v6 =	vld [tilespmem:s14+$0x60]  }
0xbf: {  	s18 =	sor.u32 $0x420, s11  }
0xc0: {  	v50 =	vld [tilespmem:s18+$0x300]  }
0xc1: {  	s19 =	sor.u32 $0x460, s11  }
0xc2: {  	v51 =	vld [tilespmem:s19+$0x300]  }
0xc3: {  	v5 =	vmul.f32 v5, v44;
	v6 =	vmul.f32 v6, v45;
	_ =	sdelay $0x1  }
0xc4: {  	v5 =	vadd.f32 v6, v5;
	v6 =	vmul.f32 v50, v47;
	_ =	sdelay $0x1  }
0xc5: {  	v5 =	vadd.f32 v6, v5;
	v6 =	vmul.f32 v51, v7;
	_ =	sdelay $0x1  }
0xc6: {  	v5 =	vadd.f32 v6, v5;
	_ =	sdelay $0x1  }
0xc7: {  	[tilespmem:s9+$0xFFFFFFA0] =	vst v5  }
0xc8: {  	v5 =	vld [tilespmem:s14+$0x30]  }
0xc9: {  	v6 =	vld [tilespmem:s14+$0x70]  }
0xca: {  	s13 =	sor.u32 $0x430, s11  }
0xcb: {  	v52 =	vld [tilespmem:s13+$0x300]  }
0xcc: {  	s11 =	sor.u32 $0x470, s11  }
0xcd: {  	v53 =	vld [tilespmem:s11+$0x300]  }
0xce: {  	v5 =	vmul.f32 v5, v44;
	v6 =	vmul.f32 v6, v45;
	_ =	sdelay $0x1  }
0xcf: {  	v5 =	vadd.f32 v6, v5;
	v6 =	vmul.f32 v52, v47;
	_ =	sdelay $0x1  }
0xd0: {  	v5 =	vadd.f32 v6, v5;
	v6 =	vmul.f32 v53, v7;
	_ =	sdelay $0x1  }
0xd1: {  	s14 =	simm.s32 $0x100;
	v5 =	vadd.f32 v6, v5  }
0xd2: {  	s15 =	sand.u32 $0x3, s2;
	s11 =	sand.u32 $0x300, s14  }
0xd3: {  	s12 =	sshll.u32 s15, $0x8;
	s11 =	sadd.s32 s11, s1;
	[tilespmem:s9+$0xFFFFFFB0] =	vst v5  }
0xd4: {  	s12 =	sadd.s32 $0x0, s12;
	v5 =	vld [tilespmem:s11+$0x0]  }
0xd5: {  	s12 =	sadd.s32 $0x100, s12;
	v6 =	vld [tilespmem:s11+$0x40]  }
0xd6: {  	s16 =	sor.u32 $0x400, s12  }
0xd7: {  	v7 =	vld [tilespmem:s16+$0x300]  }
0xd8: {  	v54 =	vbroadcast v4, $0x8;
	v55 =	vbroadcast v4, $0x9;
	s17 =	sor.u32 $0x440, s12  }
0xd9: {  	v56 =	vbroadcast v4, $0xA;
	v57 =	vld [tilespmem:s17+$0x300]  }
0xda: {  	v5 =	vmul.f32 v5, v54;
	v6 =	vmul.f32 v6, v55;
	_ =	sdelay $0x1  }
0xdb: {  	v5 =	vadd.f32 v6, v5;
	v6 =	vmul.f32 v7, v56;
	v7 =	vbroadcast v4, $0xB;
	_ =	sdelay $0x1  }
0xdc: {  	v5 =	vadd.f32 v6, v5;
	v6 =	vmul.f32 v57, v7;
	_ =	sdelay $0x1  }
0xdd: {  	v5 =	vadd.f32 v6, v5;
	_ =	sdelay $0x1  }
0xde: {  	[tilespmem:s9+$0x0] =	vst v5  }
0xdf: {  	v5 =	vld [tilespmem:s11+$0x10]  }
0xe0: {  	v6 =	vld [tilespmem:s11+$0x50]  }
0xe1: {  	s18 =	sor.u32 $0x410, s12  }
0xe2: {  	v58 =	vld [tilespmem:s18+$0x300]  }
0xe3: {  	s19 =	sor.u32 $0x450, s12  }
0xe4: {  	v59 =	vld [tilespmem:s19+$0x300]  }
0xe5: {  	v5 =	vmul.f32 v5, v54;
	v6 =	vmul.f32 v6, v55;
	_ =	sdelay $0x1  }
0xe6: {  	v5 =	vadd.f32 v6, v5;
	v6 =	vmul.f32 v58, v56;
	_ =	sdelay $0x1  }
0xe7: {  	v5 =	vadd.f32 v6, v5;
	v6 =	vmul.f32 v59, v7;
	_ =	sdelay $0x1  }
0xe8: {  	v5 =	vadd.f32 v6, v5;
	_ =	sdelay $0x1  }
0xe9: {  	[tilespmem:s9+$0x10] =	vst v5  }
0xea: {  	v5 =	vld [tilespmem:s11+$0x20]  }
0xeb: {  	v6 =	vld [tilespmem:s11+$0x60]  }
0xec: {  	s14 =	sor.u32 $0x420, s12  }
0xed: {  	v60 =	vld [tilespmem:s14+$0x300]  }
0xee: {  	s15 =	sor.u32 $0x460, s12  }
0xef: {  	v61 =	vld [tilespmem:s15+$0x300]  }
0xf0: {  	v5 =	vmul.f32 v5, v54;
	v6 =	vmul.f32 v6, v55;
	_ =	sdelay $0x1  }
0xf1: {  	v5 =	vadd.f32 v6, v5;
	v6 =	vmul.f32 v60, v56;
	_ =	sdelay $0x1  }
0xf2: {  	v5 =	vadd.f32 v6, v5;
	v6 =	vmul.f32 v61, v7;
	_ =	sdelay $0x1  }
0xf3: {  	v5 =	vadd.f32 v6, v5;
	_ =	sdelay $0x1  }
0xf4: {  	[tilespmem:s9+$0x20] =	vst v5  }
0xf5: {  	v5 =	vld [tilespmem:s11+$0x30]  }
0xf6: {  	v6 =	vld [tilespmem:s11+$0x70]  }
0xf7: {  	s16 =	sor.u32 $0x430, s12  }
0xf8: {  	v62 =	vld [tilespmem:s16+$0x300]  }
0xf9: {  	s17 =	sor.u32 $0x470, s12  }
0xfa: {  	v63 =	vld [tilespmem:s17+$0x300]  }
0xfb: {  	v5 =	vmul.f32 v5, v54;
	v6 =	vmul.f32 v6, v55;
	_ =	sdelay $0x1  }
0xfc: {  	v5 =	vadd.f32 v6, v5;
	v6 =	vmul.f32 v62, v56;
	_ =	sdelay $0x1  }
0xfd: {  	v5 =	vadd.f32 v6, v5;
	v6 =	vmul.f32 v63, v7;
	_ =	sdelay $0x1  }
0xfe: {  	s18 =	simm.s32 $0x180;
	v5 =	vadd.f32 v6, v5  }
0xff: {  	s30 =	simm.s32 $0x400;
	s12 =	simm.s32 $0x0;
	s19 =	sand.u32 $0x380, s18  }
0x100: {  	s14 =	sadd.s32 $0x180, s3;
	s3 =	simm.s32 $0x110;
	s17 =	sadd.s32 s19, s1;
	[tilespmem:s9+$0x30] =	vst v5  }
0x101: {  	s16 =	sor.u32 $0x400, s14;
	s1 =	simm.s32 $0x200;
	s11 =	simm.s32 $0x8600;
	v5 =	vld [tilespmem:s17+$0x0]  }
.LBB2_3:
0x102: {  	s2 =	sadd.s32 $0x4, s2  }
0x103: {  	v6 =	vld [tilespmem:s17+$0x40];
	s12 =	sadd.s32 $0x2, s12;
	p0 =	por !p0, !p0;
	s15 =	smov.u32 s30  }
0x104: {  	p1 =	sne.s32 s30, $0x7C00;
	s30 =	sadd.s32 $0x400, s30;
	s13 =	sor.u32 $0x440, s14;
	v7 =	vld [tilespmem:s16+$0x300]  }
0x105: {  	v8 =	vld [tilespmem:s13+$0x300]  }
0x106: {  	v9 =	vbroadcast v4, $0xC;
	v10 =	vbroadcast v4, $0xD  }
0x107: {  	v11 =	vbroadcast v4, $0xE  }
0x108: {  	v5 =	vmul.f32 v5, v9;
	v6 =	vmul.f32 v6, v10;
	_ =	sdelay $0x1  }
0x109: {  	v4 =	vbroadcast v4, $0xF;
	v5 =	vadd.f32 v6, v5;
	v6 =	vmul.f32 v7, v11;
	_ =	sdelay $0x1  }
0x10a: {  	v5 =	vadd.f32 v6, v5;
	v6 =	vmul.f32 v8, v4;
	_ =	sdelay $0x1  }
0x10b: {  	v5 =	vadd.f32 v6, v5;
	_ =	sdelay $0x1  }
0x10c: {  	[tilespmem:s9+$0x80] =	vst v5  }
0x10d: {  	v5 =	vld [tilespmem:s17+$0x10]  }
0x10e: {  	s16 =	sor.u32 $0x410, s14;
	s13 =	sand.u32 $0x7800, s15;
	v6 =	vld [tilespmem:s17+$0x50]  }
0x10f: {  	s18 =	sand.u32 $0x200, s1;
	s19 =	sor.u32 $0x450, s14;
	s13 =	sor.u32 $0x300, s13;
	v7 =	vld [tilespmem:s16+$0x300]  }
0x110: {  	s16 =	sadd.s32 s18, s13;
	v8 =	vld [tilespmem:s19+$0x300];
	_ =	sdelay $0x1  }
0x111: {  	v5 =	vmul.f32 v5, v9  }
0x112: {  	v6 =	vmul.f32 v6, v10;
	_ =	sdelay $0x1  }
0x113: {  	v5 =	vadd.f32 v6, v5;
	v6 =	vmul.f32 v7, v11;
	_ =	sdelay $0x1  }
0x114: {  	v5 =	vadd.f32 v6, v5;
	v6 =	vmul.f32 v8, v4;
	_ =	sdelay $0x1  }
0x115: {  	v5 =	vadd.f32 v6, v5;
	_ =	sdelay $0x1  }
0x116: {  	[tilespmem:s9+$0x90] =	vst v5  }
0x117: {  	v5 =	vld [tilespmem:s17+$0x20]  }
0x118: {  	s18 =	sor.u32 $0x420, s14;
	v6 =	vld [tilespmem:s17+$0x60]  }
0x119: {  	v7 =	vld [tilespmem:s18+$0x300];
	s18 =	sor.u32 $0x460, s14  }
0x11a: {  	v8 =	vld [tilespmem:s18+$0x300];
	_ =	sdelay $0x1  }
0x11b: {  	v5 =	vmul.f32 v5, v9  }
0x11c: {  	v6 =	vmul.f32 v6, v10;
	_ =	sdelay $0x1  }
0x11d: {  	v5 =	vadd.f32 v6, v5;
	v6 =	vmul.f32 v7, v11;
	_ =	sdelay $0x1  }
0x11e: {  	v5 =	vadd.f32 v6, v5;
	v6 =	vmul.f32 v8, v4;
	_ =	sdelay $0x1  }
0x11f: {  	v5 =	vadd.f32 v6, v5;
	_ =	sdelay $0x1  }
0x120: {  	[tilespmem:s9+$0xA0] =	vst v5  }
0x121: {  	v5 =	vld [tilespmem:s17+$0x30]  }
0x122: {  	v6 =	vld [tilespmem:s17+$0x70];
	s17 =	sor.u32 $0x430, s14  }
0x123: {  	s14 =	sor.u32 $0x470, s14;
	v7 =	vld [tilespmem:s17+$0x300]  }
0x124: {  	v8 =	vld [tilespmem:s14+$0x300];
	_ =	sdelay $0x1  }
0x125: {  	v5 =	vmul.f32 v5, v9  }
0x126: {  	v6 =	vmul.f32 v6, v10  }
0x127: {  	v7 =	vmul.f32 v7, v11  }
0x128: {  	v5 =	vadd.f32 v6, v5  }
0x129: {  	v4 =	vmul.f32 v8, v4  }
0x12a: {  	v5 =	vadd.f32 v7, v5;
	_ =	sdelay $0x1  }
0x12b: {  	v4 =	vadd.f32 v4, v5  }
0x12c: {  	s14 =	simm.s32 $0x1  }
0x12d: {  	s14 =	simm.s32 @!p0 $0x0;
	[tilespmem:s9+$0xB0] =	vst v4;
	s9 =	smov.u32 s11  }
0x12e: {  	s14 =	sshll.u32 s14, $0x9;
	v4 =	vld [tilespmem:s3+$0x0]  }
0x12f: {  	s14 =	sadd.s32 s14, s15;
	v5 =	vld [tilespmem:s16+$0x0]  }
0x130: {  	s17 =	sor.u32 $0x400, s14;
	v6 =	vld [tilespmem:s16+$0x40]  }
0x131: {  	v7 =	vld [tilespmem:s17+$0x300];
	s17 =	sor.u32 $0x440, s14  }
0x132: {  	v8 =	vld [tilespmem:s17+$0x300]  }
0x133: {  	v9 =	vbroadcast v4, $0x0;
	v10 =	vbroadcast v4, $0x1  }
0x134: {  	v11 =	vbroadcast v4, $0x2  }
0x135: {  	v5 =	vmul.f32 v5, v9;
	v6 =	vmul.f32 v6, v10;
	_ =	sdelay $0x1  }
0x136: {  	v5 =	vadd.f32 v6, v5;
	v6 =	vmul.f32 v7, v11;
	v7 =	vbroadcast v4, $0x3;
	_ =	sdelay $0x1  }
0x137: {  	v5 =	vadd.f32 v6, v5;
	v6 =	vmul.f32 v8, v7;
	_ =	sdelay $0x1  }
0x138: {  	v5 =	vadd.f32 v6, v5;
	_ =	sdelay $0x1  }
0x139: {  	[tilespmem:s11+$0xFFFFFF00] =	vst v5  }
0x13a: {  	v5 =	vld [tilespmem:s16+$0x10]  }
0x13b: {  	v6 =	vld [tilespmem:s16+$0x50]  }
0x13c: {  	s17 =	sor.u32 $0x410, s14  }
0x13d: {  	v8 =	vld [tilespmem:s17+$0x300]  }
0x13e: {  	s17 =	sor.u32 $0x450, s14  }
0x13f: {  	v5 =	vmul.f32 v5, v9;
	v12 =	vld [tilespmem:s17+$0x300]  }
0x140: {  	v6 =	vmul.f32 v6, v10;
	_ =	sdelay $0x1  }
0x141: {  	v5 =	vadd.f32 v6, v5;
	v6 =	vmul.f32 v8, v11;
	_ =	sdelay $0x1  }
0x142: {  	v5 =	vadd.f32 v6, v5;
	v6 =	vmul.f32 v12, v7;
	_ =	sdelay $0x1  }
0x143: {  	v5 =	vadd.f32 v6, v5;
	_ =	sdelay $0x1  }
0x144: {  	[tilespmem:s11+$0xFFFFFF10] =	vst v5  }
0x145: {  	v5 =	vld [tilespmem:s16+$0x20]  }
0x146: {  	v6 =	vld [tilespmem:s16+$0x60]  }
0x147: {  	s17 =	sor.u32 $0x420, s14  }
0x148: {  	v8 =	vld [tilespmem:s17+$0x300]  }
0x149: {  	s17 =	sor.u32 $0x460, s14  }
0x14a: {  	v5 =	vmul.f32 v5, v9;
	v12 =	vld [tilespmem:s17+$0x300]  }
0x14b: {  	v6 =	vmul.f32 v6, v10;
	_ =	sdelay $0x1  }
0x14c: {  	v5 =	vadd.f32 v6, v5;
	v6 =	vmul.f32 v8, v11;
	_ =	sdelay $0x1  }
0x14d: {  	v5 =	vadd.f32 v6, v5;
	v6 =	vmul.f32 v12, v7;
	_ =	sdelay $0x1  }
0x14e: {  	v5 =	vadd.f32 v6, v5;
	_ =	sdelay $0x1  }
0x14f: {  	[tilespmem:s11+$0xFFFFFF20] =	vst v5  }
0x150: {  	v5 =	vld [tilespmem:s16+$0x30]  }
0x151: {  	v6 =	vld [tilespmem:s16+$0x70];
	s16 =	sor.u32 $0x470, s14  }
0x152: {  	s14 =	sor.u32 $0x430, s14;
	v8 =	vld [tilespmem:s16+$0x300]  }
0x153: {  	v12 =	vld [tilespmem:s14+$0x300];
	_ =	sdelay $0x1  }
0x154: {  	v5 =	vmul.f32 v5, v9  }
0x155: {  	v6 =	vmul.f32 v6, v10  }
0x156: {  	v7 =	vmul.f32 v8, v7  }
0x157: {  	v5 =	vadd.f32 v6, v5;
	v6 =	vmul.f32 v12, v11;
	_ =	sdelay $0x1  }
0x158: {  	v5 =	vadd.f32 v6, v5;
	_ =	sdelay $0x1  }
0x159: {  	s16 =	sadd.s32 $0x80, s1;
	s14 =	sand.u32 $0x7, s2;
	v5 =	vadd.f32 v7, v5  }
0x15a: {  	s16 =	sand.u32 $0x280, s16;
	s14 =	sshll.u32 s14, $0x7  }
0x15b: {  	s18 =	sadd.s32 s16, s13;
	s14 =	sadd.s32 s15, s14;
	[tilespmem:s11+$0xFFFFFF30] =	vst v5  }
0x15c: {  	s17 =	sadd.s32 $0x80, s14;
	s14 =	sadd.s32 $0x180, s14;
	v5 =	vld [tilespmem:s18+$0x0]  }
0x15d: {  	s19 =	sor.u32 $0x400, s17;
	s16 =	sor.u32 $0x400, s14;
	v6 =	vld [tilespmem:s18+$0x40]  }
0x15e: {  	v7 =	vld [tilespmem:s19+$0x300];
	s19 =	sor.u32 $0x440, s17  }
0x15f: {  	v8 =	vbroadcast v4, $0x4;
	v9 =	vld [tilespmem:s19+$0x300]  }
0x160: {  	v10 =	vbroadcast v4, $0x5  }
0x161: {  	v5 =	vmul.f32 v5, v8  }
0x162: {  	v11 =	vbroadcast v4, $0x6;
	v6 =	vmul.f32 v6, v10;
	_ =	sdelay $0x1  }
0x163: {  	v5 =	vadd.f32 v6, v5;
	v6 =	vmul.f32 v7, v11;
	v7 =	vbroadcast v4, $0x7;
	_ =	sdelay $0x1  }
0x164: {  	v5 =	vadd.f32 v6, v5;
	v6 =	vmul.f32 v9, v7;
	_ =	sdelay $0x1  }
0x165: {  	v5 =	vadd.f32 v6, v5;
	_ =	sdelay $0x1  }
0x166: {  	[tilespmem:s11+$0xFFFFFF80] =	vst v5  }
0x167: {  	v5 =	vld [tilespmem:s18+$0x10]  }
0x168: {  	s19 =	sor.u32 $0x410, s17;
	v6 =	vld [tilespmem:s18+$0x50]  }
0x169: {  	v9 =	vld [tilespmem:s19+$0x300];
	s19 =	sor.u32 $0x450, s17  }
0x16a: {  	v12 =	vld [tilespmem:s19+$0x300];
	_ =	sdelay $0x2  }
0x16b: {  	v5 =	vmul.f32 v5, v8;
	v6 =	vmul.f32 v6, v10;
	_ =	sdelay $0x1  }
0x16c: {  	v5 =	vadd.f32 v6, v5;
	v6 =	vmul.f32 v9, v11;
	_ =	sdelay $0x1  }
0x16d: {  	v5 =	vadd.f32 v6, v5;
	v6 =	vmul.f32 v12, v7;
	_ =	sdelay $0x1  }
0x16e: {  	v5 =	vadd.f32 v6, v5;
	_ =	sdelay $0x1  }
0x16f: {  	[tilespmem:s11+$0xFFFFFF90] =	vst v5  }
0x170: {  	v5 =	vld [tilespmem:s18+$0x20]  }
0x171: {  	s19 =	sor.u32 $0x420, s17;
	v6 =	vld [tilespmem:s18+$0x60]  }
0x172: {  	v9 =	vld [tilespmem:s19+$0x300];
	s19 =	sor.u32 $0x460, s17  }
0x173: {  	v12 =	vld [tilespmem:s19+$0x300];
	_ =	sdelay $0x2  }
0x174: {  	v5 =	vmul.f32 v5, v8;
	v6 =	vmul.f32 v6, v10;
	_ =	sdelay $0x1  }
0x175: {  	v5 =	vadd.f32 v6, v5;
	v6 =	vmul.f32 v9, v11;
	_ =	sdelay $0x1  }
0x176: {  	v5 =	vadd.f32 v6, v5;
	v6 =	vmul.f32 v12, v7;
	_ =	sdelay $0x1  }
0x177: {  	v5 =	vadd.f32 v6, v5;
	_ =	sdelay $0x1  }
0x178: {  	[tilespmem:s11+$0xFFFFFFA0] =	vst v5  }
0x179: {  	v5 =	vld [tilespmem:s18+$0x30]  }
0x17a: {  	v6 =	vld [tilespmem:s18+$0x70];
	s18 =	sor.u32 $0x430, s17  }
0x17b: {  	s17 =	sor.u32 $0x470, s17;
	v9 =	vld [tilespmem:s18+$0x300]  }
0x17c: {  	v12 =	vld [tilespmem:s17+$0x300];
	_ =	sdelay $0x1  }
0x17d: {  	v5 =	vmul.f32 v5, v8  }
0x17e: {  	v6 =	vmul.f32 v6, v10;
	_ =	sdelay $0x1  }
0x17f: {  	v5 =	vadd.f32 v6, v5;
	v6 =	vmul.f32 v9, v11;
	_ =	sdelay $0x1  }
0x180: {  	v5 =	vadd.f32 v6, v5;
	v6 =	vmul.f32 v12, v7;
	_ =	sdelay $0x1  }
0x181: {  	s18 =	sadd.s32 $0x100, s1;
	s17 =	sand.u32 $0x3, s12;
	v5 =	vadd.f32 v6, v5  }
0x182: {  	s18 =	sand.u32 $0x300, s18;
	s17 =	sshll.u32 s17, $0x8  }
0x183: {  	s15 =	sadd.s32 s15, s17;
	s17 =	sadd.s32 s18, s13;
	[tilespmem:s11+$0xFFFFFFB0] =	vst v5  }
0x184: {  	s15 =	sadd.s32 $0x100, s15;
	v5 =	vld [tilespmem:s17+$0x0]  }
0x185: {  	s18 =	sor.u32 $0x400, s15;
	v6 =	vld [tilespmem:s17+$0x40]  }
0x186: {  	v7 =	vld [tilespmem:s18+$0x300];
	_ =	sdelay $0x1  }
0x187: {  	v8 =	vbroadcast v4, $0x8;
	v9 =	vbroadcast v4, $0x9;
	s18 =	sor.u32 $0x440, s15  }
0x188: {  	v10 =	vbroadcast v4, $0xA;
	v11 =	vld [tilespmem:s18+$0x300]  }
0x189: {  	v5 =	vmul.f32 v5, v8;
	v6 =	vmul.f32 v6, v9;
	_ =	sdelay $0x1  }
0x18a: {  	v5 =	vadd.f32 v6, v5;
	v6 =	vmul.f32 v7, v10;
	v7 =	vbroadcast v4, $0xB;
	_ =	sdelay $0x1  }
0x18b: {  	v5 =	vadd.f32 v6, v5;
	v6 =	vmul.f32 v11, v7;
	_ =	sdelay $0x1  }
0x18c: {  	v5 =	vadd.f32 v6, v5;
	_ =	sdelay $0x1  }
0x18d: {  	[tilespmem:s11+$0x0] =	vst v5  }
0x18e: {  	v5 =	vld [tilespmem:s17+$0x10]  }
0x18f: {  	s18 =	sor.u32 $0x410, s15;
	v6 =	vld [tilespmem:s17+$0x50]  }
0x190: {  	v11 =	vld [tilespmem:s18+$0x300];
	s18 =	sor.u32 $0x450, s15  }
0x191: {  	v12 =	vld [tilespmem:s18+$0x300];
	_ =	sdelay $0x1  }
0x192: {  	v5 =	vmul.f32 v5, v8  }
0x193: {  	v6 =	vmul.f32 v6, v9;
	_ =	sdelay $0x1  }
0x194: {  	v5 =	vadd.f32 v6, v5;
	v6 =	vmul.f32 v11, v10;
	_ =	sdelay $0x1  }
0x195: {  	v5 =	vadd.f32 v6, v5;
	v6 =	vmul.f32 v12, v7;
	_ =	sdelay $0x1  }
0x196: {  	v5 =	vadd.f32 v6, v5;
	_ =	sdelay $0x1  }
0x197: {  	[tilespmem:s11+$0x10] =	vst v5  }
0x198: {  	v5 =	vld [tilespmem:s17+$0x20]  }
0x199: {  	s18 =	sor.u32 $0x420, s15;
	v6 =	vld [tilespmem:s17+$0x60]  }
0x19a: {  	v11 =	vld [tilespmem:s18+$0x300];
	s18 =	sor.u32 $0x460, s15  }
0x19b: {  	v12 =	vld [tilespmem:s18+$0x300];
	_ =	sdelay $0x2  }
0x19c: {  	v5 =	vmul.f32 v5, v8;
	v6 =	vmul.f32 v6, v9;
	_ =	sdelay $0x1  }
0x19d: {  	v5 =	vadd.f32 v6, v5;
	v6 =	vmul.f32 v11, v10;
	_ =	sdelay $0x1  }
0x19e: {  	v5 =	vadd.f32 v6, v5;
	v6 =	vmul.f32 v12, v7;
	_ =	sdelay $0x1  }
0x19f: {  	v5 =	vadd.f32 v6, v5;
	_ =	sdelay $0x1  }
0x1a0: {  	[tilespmem:s11+$0x20] =	vst v5  }
0x1a1: {  	v5 =	vld [tilespmem:s17+$0x30]  }
0x1a2: {  	v6 =	vld [tilespmem:s17+$0x70];
	s17 =	sor.u32 $0x430, s15  }
0x1a3: {  	s15 =	sor.u32 $0x470, s15;
	v11 =	vld [tilespmem:s17+$0x300]  }
0x1a4: {  	v12 =	vld [tilespmem:s15+$0x300];
	_ =	sdelay $0x1  }
0x1a5: {  	v5 =	vmul.f32 v5, v8  }
0x1a6: {  	v6 =	vmul.f32 v6, v9;
	_ =	sdelay $0x1  }
0x1a7: {  	v5 =	vadd.f32 v6, v5;
	v6 =	vmul.f32 v11, v10;
	_ =	sdelay $0x1  }
0x1a8: {  	v5 =	vadd.f32 v6, v5;
	v6 =	vmul.f32 v12, v7  }
.Ltmp0:
0x1a9: {  	(pc) =	sbr.rel @p1 .LBB2_3-.Ltmp0, $4  }
0x1aa: {  	s15 =	sadd.s32 $0x180, s1;
	v5 =	vadd.f32 v6, v5  }
0x1ab: {  	s15 =	sand.u32 $0x380, s15  }
0x1ac: {  	s17 =	sadd.s32 s15, s13;
	[tilespmem:s11+$0x30] =	vst v5  }
0x1ad: {  	s3 =	sadd.s32 $0x10, s3;
	s1 =	sadd.s32 $0x200, s1;
	s11 =	sadd.s32 $0x200, s11;
	v5 =	vld [tilespmem:s17+$0x0]  }
0x1ae: {  	v6 =	vld [tilespmem:s17+$0x40];
	_ =	sdelay $0x1  }
0x1af: {  	v7 =	vld [tilespmem:s16+$0x300]  }
0x1b0: {  	s1 =	sor.u32 $0x440, s14;
	v8 =	vbroadcast v4, $0xC;
	v9 =	vbroadcast v4, $0xD  }
0x1b1: {  	v11 =	vbroadcast v4, $0xE;
	v10 =	vld [tilespmem:s1+$0x300]  }
0x1b2: {  	v5 =	vmul.f32 v5, v8;
	v6 =	vmul.f32 v6, v9;
	_ =	sdelay $0x1  }
0x1b3: {  	v4 =	vbroadcast v4, $0xF;
	v49 =	vmul.f32 v7, v11;
	v5 =	vadd.f32 v6, v5;
	_ =	sdelay $0x1  }
0x1b4: {  	v50 =	vmul.f32 v10, v4;
	v5 =	vadd.f32 v49, v5;
	_ =	sdelay $0x1  }
0x1b5: {  	v5 =	vadd.f32 v50, v5;
	_ =	sdelay $0x1  }
0x1b6: {  	[tilespmem:s9+$0x80] =	vst v5  }
0x1b7: {  	v5 =	vld [tilespmem:s17+$0x10]  }
0x1b8: {  	v51 =	vld [tilespmem:s17+$0x50]  }
0x1b9: {  	s12 =	sor.u32 $0x410, s14  }
0x1ba: {  	v52 =	vld [tilespmem:s12+$0x300]  }
0x1bb: {  	s13 =	sor.u32 $0x450, s14  }
0x1bc: {  	v53 =	vld [tilespmem:s13+$0x300]  }
0x1bd: {  	v5 =	vmul.f32 v5, v8;
	v6 =	vmul.f32 v51, v9;
	_ =	sdelay $0x1  }
0x1be: {  	v54 =	vmul.f32 v52, v11;
	v5 =	vadd.f32 v6, v5;
	_ =	sdelay $0x1  }
0x1bf: {  	v55 =	vmul.f32 v53, v4;
	v5 =	vadd.f32 v54, v5;
	_ =	sdelay $0x1  }
0x1c0: {  	v5 =	vadd.f32 v55, v5;
	_ =	sdelay $0x1  }
0x1c1: {  	[tilespmem:s9+$0x90] =	vst v5  }
0x1c2: {  	v5 =	vld [tilespmem:s17+$0x20]  }
0x1c3: {  	v56 =	vld [tilespmem:s17+$0x60]  }
0x1c4: {  	s15 =	sor.u32 $0x420, s14  }
0x1c5: {  	v57 =	vld [tilespmem:s15+$0x300]  }
0x1c6: {  	s16 =	sor.u32 $0x460, s14  }
0x1c7: {  	v58 =	vld [tilespmem:s16+$0x300]  }
0x1c8: {  	v5 =	vmul.f32 v5, v8;
	v6 =	vmul.f32 v56, v9;
	_ =	sdelay $0x1  }
0x1c9: {  	v59 =	vmul.f32 v57, v11;
	v5 =	vadd.f32 v6, v5;
	_ =	sdelay $0x1  }
0x1ca: {  	v60 =	vmul.f32 v58, v4;
	v5 =	vadd.f32 v59, v5;
	_ =	sdelay $0x1  }
0x1cb: {  	v5 =	vadd.f32 v60, v5;
	_ =	sdelay $0x1  }
0x1cc: {  	[tilespmem:s9+$0xA0] =	vst v5  }
0x1cd: {  	v5 =	vld [tilespmem:s17+$0x30]  }
0x1ce: {  	v61 =	vld [tilespmem:s17+$0x70]  }
0x1cf: {  	s18 =	sor.u32 $0x430, s14  }
0x1d0: {  	v62 =	vld [tilespmem:s18+$0x300]  }
0x1d1: {  	s19 =	sor.u32 $0x470, s14  }
0x1d2: {  	v63 =	vld [tilespmem:s19+$0x300]  }
0x1d3: {  	v5 =	vmul.f32 v5, v8;
	v6 =	vmul.f32 v61, v9;
	_ =	sdelay $0x1  }
0x1d4: {  	v7 =	vmul.f32 v62, v11;
	v5 =	vadd.f32 v6, v5;
	_ =	sdelay $0x1  }
0x1d5: {  	v4 =	vmul.f32 v63, v4;
	v5 =	vadd.f32 v7, v5;
	_ =	sdelay $0x1  }
0x1d6: {  	s0 =	sadd.s32 s8, s0;
	s31 =	sadd.s32 $0x1, s31;
	v4 =	vadd.f32 v4, v5  }
0x1d7: {  	s0 =	sshll.u32 s0, $0x4;
	p0 =	sne.s32 s31, $0x4F  }
.Ltmp1:
0x1d8: {  	s30 =	simm.s32 $0x0;
	s0 =	sadd.s32 s7, s0;
	[tilespmem:s9+$0xB0] =	vst v4;
	(pc) =	sbr.rel @p0 .LBB2_2-.Ltmp1, $4  }
0x1d9: {  	[hbm4b:s0+s30] =	stream.linear.scatter [tilespmem:s29], [sflag:$0x2], $0x4000, $0x38;
	[tilespmem:$0xC300] =	vst v63  }
0x1da: {  	_ =	swait.ge [sflag:s10], $0x4000  }
0x1db: {  	[sflag:s10] =	ssyncset.done $0x0  }
0x1dc: {  	[sflag:s10] =	ssyncadd.s32 $0xFFFFC000  }
0x1dd: {  	s1 =	rddreg [dreg:$0x4]  }
0x1de: {  	s0 =	rddreg [dreg:$0x3];
	s1 =	sadd.s32 $0x1, s1  }
0x1df: {  	p0 =	sne.s32 s1, s0  }
.Ltmp2:
0x1e0: {  	_ = 	snop;
	(pc) =	sbr.rel @p0 .LBB2_1-.Ltmp2, $1  }
0x1e1: {  	_ =	sdelay $0x3  }
0x1e2: {  	_ =	sfence.sel $0x180000  }
0x1e3: {  	[bflag:$0x0] =	sbarrier.arrive $0xFFFF  }
0x1e4: {  	_ =	strace $0x90000047  }
0x1e5: {  	s0 =	stileid.u32;
	[bflag:$0x2] =	sbarrier.arrive $0xFFFF  }
0x1e6: {  	p0 =	sne.s32 s0, $0x0;
	s0 =	rddreg [dreg:$0x2]  }
0x1e7: {  	s0 =	sadd.s32 @!p0 $0x100000, s0  }
0x1e8: {  	[sflag:s0] =	ssyncadd.tile.s32 @!p0 $0x1;
	_ =	shalt  }
.Lfunc_end2:
_tile_overlayer_lowered:
.L_overlay_start_2:
0x1e9: {  	(tag) =	ssettag $0x2  }
0x1ea: {  	s0 =	rddreg [dreg:$0x0];
	s2 =	stileid.u32  }
0x1eb: {  	s1 =	rddreg [dreg:$0x1];
	p0 =	sne.s32 s2, $0x0  }
0x1ec: {  	s3 =	rddreg [dreg:$0x2];
	[bflag:$0x3] =	sbarrier.arrive $0xFFFF;
	s2 =	simm.s32 @!p0 $0x1C02  }
0x1ed: {  	[timem:s3], [sflag:s2] =	dma.local @!p0 [hbm:s0], s1  }
0x1ee: {  	s0 =	simm.s32 @!p0 $0x2  }
0x1ef: {  	_ =	swait.ge @!p0 [sflag:s0], s1  }
0x1f0: {  	s1 =	ssub.s32 @!p0 $0x0, s1;
	[sflag:s0] =	ssyncset.done @!p0 $0x0  }
0x1f1: {  	[sflag:s0] =	ssyncadd.s32 @!p0 s1  }
0x1f2: {  	[bflag:$0x3] =	sbarrier.arrive $0xFFFF  }
0x1f3: {  	_ =	shalt  }

</sc_bundles>
